<compile_context>
chip_gen: v7x
topology: tpu7x:2x2x1
jax: 0.10.2.dev20260603
libtpu: 0.0.44.dev20260713+nightly
codegen_flags: <defaults>
</compile_context>

<pallas_src>
import functools

import jax
import jax.numpy as jnp
from jax import lax
from jax.experimental import pallas as pl
from jax.experimental.pallas import tpu as pltpu
from jax.experimental.pallas import tpu_sc as plsc

N = 10000
E = 320000
D_IN = 128
D_H = 128
D_OUT = 64

NC = 2
NS = 16
NW = NC * NS
CHUNK = 128
CPW = 80
E_PAD = NW * CPW * CHUNK
N_PAD = 10112
RPT_PAD = N_PAD // NS

_mesh = plsc.VectorSubcoreMesh(core_axis_name="c", subcore_axis_name="s")


@functools.partial(
    pl.kernel,
    mesh=_mesh,
    out_type=jax.ShapeDtypeStruct((NC, N_PAD, D_H), jnp.float32),
    scratch_types=[
        pltpu.VMEM_SHARED((N_PAD, D_H), jnp.float32),
        pltpu.VMEM((CPW, CHUNK), jnp.int32),
        pltpu.VMEM((CHUNK, D_H), jnp.float32),
        pltpu.SemaphoreType.DMA,
    ],
)
def _hist_kernel(idx_hbm, ones_hbm, zeros_hbm, deg_hbm, sh, idx_v, ones_v,
                 ssem):
    c = lax.axis_index("c")
    s = lax.axis_index("s")
    wid = c * NS + s
    pltpu.sync_copy(idx_hbm.at[wid], idx_v)
    pltpu.sync_copy(ones_hbm, ones_v)
    z0 = s * RPT_PAD
    pltpu.sync_copy(zeros_hbm, sh.at[pl.ds(z0, RPT_PAD)])
    plsc.subcore_barrier()

    def fire(j, carry):
        pltpu.async_copy(ones_v, sh.at[idx_v.at[j]], ssem, add=True)
        return carry

    lax.fori_loop(0, CPW, fire, 0)

    def drain(j, carry):
        pltpu.make_async_copy(ones_v, sh.at[idx_v.at[j]], ssem).wait()
        return carry

    lax.fori_loop(0, CPW, drain, 0)
    plsc.subcore_barrier()
    pltpu.sync_copy(sh.at[pl.ds(z0, RPT_PAD)],
                    deg_hbm.at[c, pl.ds(z0, RPT_PAD)])


def _make_agg(D):
    HCPW = CPW // 2

    @functools.partial(
        pl.kernel,
        mesh=_mesh,
        out_type=jax.ShapeDtypeStruct((NC, N_PAD, D), jnp.float32),
        scratch_types=[
            pltpu.VMEM_SHARED((N_PAD, D), jnp.float32),
            pltpu.VMEM((HCPW, CHUNK), jnp.int32),
            pltpu.VMEM((HCPW, CHUNK), jnp.int32),
            pltpu.VMEM((CHUNK, D), jnp.float32),
            pltpu.VMEM((CHUNK, D), jnp.float32),
            pltpu.SemaphoreType.DMA,
            pltpu.SemaphoreType.DMA,
        ],
    )
    def _agg(hw_hbm, src_hbm, dst_hbm, zeros_hbm, out_hbm, sh, isrc, idst,
             buf0, buf1, sem0, sem1):
        c = lax.axis_index("c")
        s = lax.axis_index("s")
        wid = c * NS + s
        z0 = s * RPT_PAD
        pltpu.sync_copy(zeros_hbm, sh.at[pl.ds(z0, RPT_PAD)])
        plsc.subcore_barrier()

        bufs = (buf0, buf1)
        sems = (sem0, sem1)

        def half(h, carry):
            pltpu.sync_copy(src_hbm.at[wid, pl.ds(h * HCPW, HCPW)], isrc)
            pltpu.sync_copy(dst_hbm.at[wid, pl.ds(h * HCPW, HCPW)], idst)

            def step(jj, carry):
                for b in range(2):
                    j = jj * 2 + b

                    @pl.when(j < HCPW)
                    def _fire(j=j, b=b):
                        pltpu.async_copy(hw_hbm.at[isrc.at[j]], bufs[b],
                                         sems[b])

                    @pl.when(jnp.logical_and(j >= 1, j <= HCPW))
                    def _scat(j=j, b=b):
                        pltpu.make_async_copy(hw_hbm.at[isrc.at[j - 1]],
                                              bufs[1 - b], sems[1 - b]).wait()
                        pltpu.sync_copy(bufs[1 - b], sh.at[idst.at[j - 1]],
                                        add=True)
                return carry

            lax.fori_loop(0, HCPW // 2 + 1, step, 0)
            return carry

        lax.fori_loop(0, 2, half, 0)
        plsc.subcore_barrier()
        pltpu.sync_copy(sh.at[pl.ds(z0, RPT_PAD)],
                        out_hbm.at[c, pl.ds(z0, RPT_PAD)])

    return _agg


_agg128 = _make_agg(D_H)


def _tc_first_body(f_ref, w_ref, ns_ref, hw_ref):
    hw_ref[...] = jnp.dot(f_ref[...], w_ref[...],
                          preferred_element_type=jnp.float32) * ns_ref[...]


_tc_first = pl.pallas_call(
    _tc_first_body,
    out_shape=jax.ShapeDtypeStruct((N, D_H), jnp.float32),
)


def _tc_mid_body(p0_ref, p1_ref, nd_ref, ns_ref, b_ref, w_ref, o_ref):
    h = (p0_ref[...] + p1_ref[...]) * nd_ref[...] + b_ref[...]
    h = jnp.maximum(h, 0.0)
    o_ref[...] = jnp.dot(h, w_ref[...],
                         preferred_element_type=jnp.float32) * ns_ref[...]


_tc_mid = pl.pallas_call(
    _tc_mid_body,
    out_shape=jax.ShapeDtypeStruct((N_PAD, D_H), jnp.float32),
)


def _tc_last_body(p0_ref, p1_ref, nd_ref, b_ref, o_ref):
    agg = p0_ref[:, :D_OUT] + p1_ref[:, :D_OUT]
    o_ref[...] = agg * nd_ref[...] + b_ref[...]


_tc_last = pl.pallas_call(
    _tc_last_body,
    out_shape=jax.ShapeDtypeStruct((N_PAD, D_OUT), jnp.float32),
)


@jax.jit
def kernel(features, edge_index, W0, b0, W1, b1, W2, b2):
    src = edge_index[0]
    dst = edge_index[1]
    pad = E_PAD - E
    trash = N + (jnp.arange(pad, dtype=jnp.int32) % (N_PAD - N))
    spread = jnp.arange(pad, dtype=jnp.int32) % N
    src_deg = jnp.concatenate([src, trash]).reshape(NW, CPW, CHUNK)
    dst_any = jnp.concatenate([dst, trash]).reshape(NW, CPW, CHUNK)
    src_gat = jnp.concatenate([src, spread]).reshape(NW, CPW, CHUNK)

    ones128 = jnp.ones((CHUNK, D_H), jnp.float32)
    zer128 = jnp.zeros((RPT_PAD, D_H), jnp.float32)
    W2p = jnp.pad(W2, ((0, 0), (0, D_H - D_OUT)))

    dego = _hist_kernel(src_deg, ones128, zer128)
    degi = _hist_kernel(dst_any, ones128, zer128)
    deg_o = dego[0, :, 0:1] + dego[1, :, 0:1]
    deg_i = degi[0, :, 0:1] + degi[1, :, 0:1]
    ns_pad = jnp.where(deg_o > 0.0, lax.rsqrt(jnp.maximum(deg_o, 1.0)), 0.0)
    nd_pad = jnp.where(deg_i > 0.0, lax.rsqrt(jnp.maximum(deg_i, 1.0)), 0.0)

    hw0 = _tc_first(features, W0, ns_pad[:N])
    p0 = _agg128(hw0, src_gat, dst_any, zer128)
    hw1 = _tc_mid(p0[0], p0[1], nd_pad, ns_pad, b0.reshape(1, D_H), W1)
    p1 = _agg128(hw1, src_gat, dst_any, zer128)
    hw2 = _tc_mid(p1[0], p1[1], nd_pad, ns_pad, b1.reshape(1, D_H), W2p)
    p2 = _agg128(hw2, src_gat, dst_any, zer128)
    out = _tc_last(p2[0], p2[1], nd_pad, b2.reshape(1, D_OUT))
    return out[:N]

# --- scband reference (transcript-rebuilt; emitter-appended) ---
"""Pipeline reference for scband-gcn-2800318677548 (READ-ONLY COPY).

The authoritative reference and input builder live on the scoring server;
editing this copy changes nothing except your own understanding.
"""

import jax, jax.numpy as jnp
import numpy as np

N = 10000
E = 320000
D_IN = 128
D_H = 128
D_OUT = 64


def setup_inputs(seed: int = 0) -> dict:
    key = jax.random.key(seed)
    ks = jax.random.split(key, 9)
    features = jax.random.normal(ks[0], (N, D_IN), dtype=jnp.float32)
    edge_index = jax.random.randint(ks[1], (2, E), 0, N, dtype=jnp.int32)
    # GraphConv weights (glorot-ish scale)
    W0 = jax.random.normal(ks[2], (D_IN, D_H), dtype=jnp.float32) * (1.0 / np.sqrt(D_IN))
    b0 = jnp.zeros((D_H,), dtype=jnp.float32)
    W1 = jax.random.normal(ks[3], (D_H, D_H), dtype=jnp.float32) * (1.0 / np.sqrt(D_H))
    b1 = jnp.zeros((D_H,), dtype=jnp.float32)
    W2 = jax.random.normal(ks[4], (D_H, D_OUT), dtype=jnp.float32) * (1.0 / np.sqrt(D_H))
    b2 = jnp.zeros((D_OUT,), dtype=jnp.float32)
    return {"features": features, "edge_index": edge_index,
            "W0": W0, "b0": b0, "W1": W1, "b1": b1, "W2": W2, "b2": b2}


def _gcn_layer(h, src, dst, norm_src, norm_dst, W, b, act):
    # DGL GraphConv with norm='both': scale by out-deg^{-1/2} at src,
    # project, aggregate (scatter-add by dst), scale by in-deg^{-1/2}, add bias.
    h = h * norm_src[:, None]
    h = h @ W
    m = jnp.take(h, src, axis=0)              # gather per-edge messages
    agg = jax.ops.segment_sum(m, dst, num_segments=N)  # scatter-add
    agg = agg * norm_dst[:, None]
    out = agg + b
    if act:
        out = jax.nn.relu(out)
    return out


def reference(features, edge_index, W0, b0, W1, b1, W2, b2):
    src = edge_index[0]
    dst = edge_index[1]
    ones = jnp.ones((E,), dtype=jnp.float32)
    deg_out = jax.ops.segment_sum(ones, src, num_segments=N)
    deg_in = jax.ops.segment_sum(ones, dst, num_segments=N)
    norm_src = jnp.where(deg_out > 0, jax.lax.rsqrt(jnp.maximum(deg_out, 1.0)), 0.0)
    norm_dst = jnp.where(deg_in > 0, jax.lax.rsqrt(jnp.maximum(deg_in, 1.0)), 0.0)
    # dropout p=0.0 -> identity between layers
    h = _gcn_layer(features, src, dst, norm_src, norm_dst, W0, b0, True)
    h = _gcn_layer(h, src, dst, norm_src, norm_dst, W1, b1, True)
    h = _gcn_layer(h, src, dst, norm_src, norm_dst, W2, b2, False)
    return h

if __name__ == "__main__":
    import jax
    _d = setup_inputs()
    print(jax.jit(kernel)(*tuple(_d.values())))

</pallas_src>

<mosaic_0001>
#map = affine_map<(d0, d1) -> (0, 0, 0)>
#map1 = affine_map<(d0, d1) -> (0, 0)>
module attributes {stable_mosaic.version = 14 : i64} {
  func.func @_hist_kernel(%arg0: i32, %arg1: i32, %arg2: memref<32x80x128xi32, #tpu.memory_space<hbm>>, %arg3: memref<128x128xf32, #tpu.memory_space<hbm>>, %arg4: memref<632x128xf32, #tpu.memory_space<hbm>>, %arg5: memref<2x10112x128xf32, #tpu.memory_space<hbm>>, %arg6: memref<10112x128xf32, #tpu.memory_space<vmem_shared>>, %arg7: memref<80x128xi32, #tpu.memory_space<vmem>>, %arg8: memref<128x128xf32, #tpu.memory_space<vmem>>, %arg9: memref<!tpu.dma_semaphore, #tpu.memory_space<semaphore_mem>>) attributes {dimension_semantics = [#tpu.dimension_semantics<core_parallel>, #tpu.dimension_semantics<subcore_parallel>], iteration_bounds = array<i64: 2, 16>, scalar_prefetch = 0 : i64, scratch_operands = 4 : i64, tpu.core_type = #tpu.core_type<sc_vector_subcore>, window_params = [{transform_indices = #map}, {transform_indices = #map1}, {transform_indices = #map1}, {transform_indices = #map}]} {
    %mul3A = arith.constant 16 : i32
    %mul3A_0 = arith.muli %arg0, %mul3A : i32
    %add3A = arith.addi %mul3A_0, %arg1 : i32
    "tpu.region"() ({
      %run_scoped3A = tpu.sem_alloc : memref<!tpu.dma_semaphore, #tpu.memory_space<semaphore_mem>>
      %dma_start3A = arith.constant 0 : i32
      %dma_start3A_15 = arith.constant 0 : i32
      %dma_start3A_16 = tpu.memref_slice %arg2[%add3A, %dma_start3A, %dma_start3A_15] : memref<32x80x128xi32, #tpu.memory_space<hbm>> -> memref<1x80x128xi32, #tpu.memory_space<hbm>>
      %dma_start3A_17 = tpu.memref_squeeze %dma_start3A_16 : memref<1x80x128xi32, #tpu.memory_space<hbm>> -> memref<80x128xi32, #tpu.memory_space<hbm>>
      %dma_start3A_18 = arith.constant 0 : i32
      %dma_start3A_19 = arith.constant 0 : i32
      %dma_start3A_20 = tpu.memref_slice %arg2[%add3A, %dma_start3A_18, %dma_start3A_19] : memref<32x80x128xi32, #tpu.memory_space<hbm>> -> memref<1x80x128xi32, #tpu.memory_space<hbm>>
      %dma_start3A_21 = tpu.memref_squeeze %dma_start3A_20 : memref<1x80x128xi32, #tpu.memory_space<hbm>> -> memref<80x128xi32, #tpu.memory_space<hbm>>
      tpu.enqueue_dma source(%dma_start3A_21 : memref<80x128xi32, #tpu.memory_space<hbm>>) target(%arg7 : memref<80x128xi32, #tpu.memory_space<vmem>>) target_semaphore(%run_scoped3A : memref<!tpu.dma_semaphore, #tpu.memory_space<semaphore_mem>>)
      %dma_wait3A = arith.constant 0 : i32
      %dma_wait3A_22 = arith.constant 0 : i32
      %dma_wait3A_23 = tpu.memref_slice %arg2[%add3A, %dma_wait3A, %dma_wait3A_22] : memref<32x80x128xi32, #tpu.memory_space<hbm>> -> memref<1x80x128xi32, #tpu.memory_space<hbm>>
      %dma_wait3A_24 = tpu.memref_squeeze %dma_wait3A_23 : memref<1x80x128xi32, #tpu.memory_space<hbm>> -> memref<80x128xi32, #tpu.memory_space<hbm>>
      %dma_wait3A_25 = arith.constant 0 : i32
      %dma_wait3A_26 = arith.constant 0 : i32
      %dma_wait3A_27 = tpu.memref_slice %arg2[%add3A, %dma_wait3A_25, %dma_wait3A_26] : memref<32x80x128xi32, #tpu.memory_space<hbm>> -> memref<1x80x128xi32, #tpu.memory_space<hbm>>
      %dma_wait3A_28 = tpu.memref_squeeze %dma_wait3A_27 : memref<1x80x128xi32, #tpu.memory_space<hbm>> -> memref<80x128xi32, #tpu.memory_space<hbm>>
      tpu.wait_dma2 semaphore(%run_scoped3A : memref<!tpu.dma_semaphore, #tpu.memory_space<semaphore_mem>>) src(%dma_wait3A_28 : memref<80x128xi32, #tpu.memory_space<hbm>>) dst(%arg7 : memref<80x128xi32, #tpu.memory_space<vmem>>)
      tpu.yield
    }) : () -> ()
    "tpu.region"() ({
      %run_scoped3A = tpu.sem_alloc : memref<!tpu.dma_semaphore, #tpu.memory_space<semaphore_mem>>
      tpu.enqueue_dma source(%arg3 : memref<128x128xf32, #tpu.memory_space<hbm>>) target(%arg8 : memref<128x128xf32, #tpu.memory_space<vmem>>) target_semaphore(%run_scoped3A : memref<!tpu.dma_semaphore, #tpu.memory_space<semaphore_mem>>)
      tpu.wait_dma2 semaphore(%run_scoped3A : memref<!tpu.dma_semaphore, #tpu.memory_space<semaphore_mem>>) src(%arg3 : memref<128x128xf32, #tpu.memory_space<hbm>>) dst(%arg8 : memref<128x128xf32, #tpu.memory_space<vmem>>)
      tpu.yield
    }) : () -> ()
    %mul3A_1 = arith.constant 632 : i32
    %mul3A_2 = arith.muli %arg1, %mul3A_1 : i32
    "tpu.region"() ({
      %run_scoped3A = tpu.sem_alloc : memref<!tpu.dma_semaphore, #tpu.memory_space<semaphore_mem>>
      %dma_start3A = arith.constant 0 : i32
      %dma_start3A_15 = tpu.memref_slice %arg6[%mul3A_2, %dma_start3A] : memref<10112x128xf32, #tpu.memory_space<vmem_shared>> -> memref<632x128xf32, #tpu.memory_space<vmem_shared>>
      tpu.enqueue_dma source(%arg4 : memref<632x128xf32, #tpu.memory_space<hbm>>) target(%dma_start3A_15 : memref<632x128xf32, #tpu.memory_space<vmem_shared>>) target_semaphore(%run_scoped3A : memref<!tpu.dma_semaphore, #tpu.memory_space<semaphore_mem>>)
      %dma_wait3A = arith.constant 0 : i32
      %dma_wait3A_16 = tpu.memref_slice %arg6[%mul3A_2, %dma_wait3A] : memref<10112x128xf32, #tpu.memory_space<vmem_shared>> -> memref<632x128xf32, #tpu.memory_space<vmem_shared>>
      tpu.wait_dma2 semaphore(%run_scoped3A : memref<!tpu.dma_semaphore, #tpu.memory_space<semaphore_mem>>) src(%arg4 : memref<632x128xf32, #tpu.memory_space<hbm>>) dst(%dma_wait3A_16 : memref<632x128xf32, #tpu.memory_space<vmem_shared>>)
      tpu.yield
    }) : () -> ()
    %barrier3A = arith.constant 0 : index
    tpu.barrier barrier_id(%barrier3A)
    %scan3A = arith.constant 0 : i32
    %scan3A_3 = arith.constant 0 : i32
    %scan3A_4 = arith.constant 80 : i32
    %scan3A_5 = arith.addi %scan3A_3, %scan3A_4 : i32
    %scan3A_6 = arith.constant 1 : i32
    scf.for %scan3A_15 = %scan3A_3 to %scan3A_5 step %scan3A_6  : i32 {
      %dma_start3A = arith.constant 0 : i32
      %dma_start3A_16 = tpu.memref_slice %arg7[%scan3A_15, %dma_start3A] : memref<80x128xi32, #tpu.memory_space<vmem>> -> memref<1x128xi32, #tpu.memory_space<vmem>>
      %dma_start3A_17 = tpu.memref_squeeze %dma_start3A_16 : memref<1x128xi32, #tpu.memory_space<vmem>> -> memref<128xi32, #tpu.memory_space<vmem>>
      %dma_start3A_18 = arith.constant 0 : i32
      %dma_start3A_19 = arith.constant 0 : i32
      %dma_start3A_20 = tpu.memref_slice %arg6[%dma_start3A_18, %dma_start3A_19] : memref<10112x128xf32, #tpu.memory_space<vmem_shared>> -> memref<10112x128xf32, #tpu.memory_space<vmem_shared>>
      tpu.enqueue_indirect_dma source(%arg8 : memref<128x128xf32, #tpu.memory_space<vmem>>) target(%dma_start3A_20 : memref<10112x128xf32, #tpu.memory_space<vmem_shared>>) offsets(%dma_start3A_17 : memref<128xi32, #tpu.memory_space<vmem>>) semaphore(%arg9 : memref<!tpu.dma_semaphore, #tpu.memory_space<semaphore_mem>>) {add = true}
    }
    %scan3A_7 = arith.constant 80 : i32
    %scan3A_8 = arith.constant 0 : i32
    %scan3A_9 = arith.constant 0 : i32
    %scan3A_10 = arith.constant 80 : i32
    %scan3A_11 = arith.addi %scan3A_9, %scan3A_10 : i32
    %scan3A_12 = arith.constant 1 : i32
    scf.for %scan3A_15 = %scan3A_9 to %scan3A_11 step %scan3A_12  : i32 {
      %dma_wait3A = arith.constant 0 : i32
      %dma_wait3A_16 = tpu.memref_slice %arg7[%scan3A_15, %dma_wait3A] : memref<80x128xi32, #tpu.memory_space<vmem>> -> memref<1x128xi32, #tpu.memory_space<vmem>>
      %dma_wait3A_17 = tpu.memref_squeeze %dma_wait3A_16 : memref<1x128xi32, #tpu.memory_space<vmem>> -> memref<128xi32, #tpu.memory_space<vmem>>
      %dma_wait3A_18 = arith.constant 0 : i32
      %dma_wait3A_19 = arith.constant 0 : i32
      %dma_wait3A_20 = tpu.memref_slice %arg6[%dma_wait3A_18, %dma_wait3A_19] : memref<10112x128xf32, #tpu.memory_space<vmem_shared>> -> memref<10112x128xf32, #tpu.memory_space<vmem_shared>>
      tpu.wait_indirect_dma semaphore(%arg9 : memref<!tpu.dma_semaphore, #tpu.memory_space<semaphore_mem>>) src(%arg8 : memref<128x128xf32, #tpu.memory_space<vmem>>) dst(%dma_wait3A_20 : memref<10112x128xf32, #tpu.memory_space<vmem_shared>>)
    }
    %scan3A_13 = arith.constant 80 : i32
    %barrier3A_14 = arith.constant 0 : index
    tpu.barrier barrier_id(%barrier3A_14)
    "tpu.region"() ({
      %run_scoped3A = tpu.sem_alloc : memref<!tpu.dma_semaphore, #tpu.memory_space<semaphore_mem>>
      %dma_start3A = arith.constant 0 : i32
      %dma_start3A_15 = tpu.memref_slice %arg5[%arg0, %mul3A_2, %dma_start3A] : memref<2x10112x128xf32, #tpu.memory_space<hbm>> -> memref<1x632x128xf32, #tpu.memory_space<hbm>>
      %dma_start3A_16 = tpu.memref_squeeze %dma_start3A_15 : memref<1x632x128xf32, #tpu.memory_space<hbm>> -> memref<632x128xf32, #tpu.memory_space<hbm>>
      %dma_start3A_17 = arith.constant 0 : i32
      %dma_start3A_18 = tpu.memref_slice %arg6[%mul3A_2, %dma_start3A_17] : memref<10112x128xf32, #tpu.memory_space<vmem_shared>> -> memref<632x128xf32, #tpu.memory_space<vmem_shared>>
      tpu.enqueue_dma source(%dma_start3A_18 : memref<632x128xf32, #tpu.memory_space<vmem_shared>>) target(%dma_start3A_16 : memref<632x128xf32, #tpu.memory_space<hbm>>) target_semaphore(%run_scoped3A : memref<!tpu.dma_semaphore, #tpu.memory_space<semaphore_mem>>)
      %dma_wait3A = arith.constant 0 : i32
      %dma_wait3A_19 = tpu.memref_slice %arg5[%arg0, %mul3A_2, %dma_wait3A] : memref<2x10112x128xf32, #tpu.memory_space<hbm>> -> memref<1x632x128xf32, #tpu.memory_space<hbm>>
      %dma_wait3A_20 = tpu.memref_squeeze %dma_wait3A_19 : memref<1x632x128xf32, #tpu.memory_space<hbm>> -> memref<632x128xf32, #tpu.memory_space<hbm>>
      %dma_wait3A_21 = arith.constant 0 : i32
      %dma_wait3A_22 = tpu.memref_slice %arg6[%mul3A_2, %dma_wait3A_21] : memref<10112x128xf32, #tpu.memory_space<vmem_shared>> -> memref<632x128xf32, #tpu.memory_space<vmem_shared>>
      tpu.wait_dma2 semaphore(%run_scoped3A : memref<!tpu.dma_semaphore, #tpu.memory_space<semaphore_mem>>) src(%dma_wait3A_22 : memref<632x128xf32, #tpu.memory_space<vmem_shared>>) dst(%dma_wait3A_20 : memref<632x128xf32, #tpu.memory_space<hbm>>)
      tpu.yield
    }) : () -> ()
    return
  }
}

#map = affine_map<(d0, d1) -> (0, 0)>
#map1 = affine_map<(d0, d1) -> (0, 0, 0)>
module attributes {stable_mosaic.version = 14 : i64} {
  func.func @_agg(%arg0: i32, %arg1: i32, %arg2: memref<10112x128xf32, #tpu.memory_space<hbm>>, %arg3: memref<32x80x128xi32, #tpu.memory_space<hbm>>, %arg4: memref<32x80x128xi32, #tpu.memory_space<hbm>>, %arg5: memref<632x128xf32, #tpu.memory_space<hbm>>, %arg6: memref<2x10112x128xf32, #tpu.memory_space<hbm>>, %arg7: memref<10112x128xf32, #tpu.memory_space<vmem_shared>>, %arg8: memref<40x128xi32, #tpu.memory_space<vmem>>, %arg9: memref<40x128xi32, #tpu.memory_space<vmem>>, %arg10: memref<128x128xf32, #tpu.memory_space<vmem>>, %arg11: memref<128x128xf32, #tpu.memory_space<vmem>>, %arg12: memref<!tpu.dma_semaphore, #tpu.memory_space<semaphore_mem>>, %arg13: memref<!tpu.dma_semaphore, #tpu.memory_space<semaphore_mem>>) attributes {dimension_semantics = [#tpu.dimension_semantics<core_parallel>, #tpu.dimension_semantics<subcore_parallel>], iteration_bounds = array<i64: 2, 16>, scalar_prefetch = 0 : i64, scratch_operands = 7 : i64, tpu.core_type = #tpu.core_type<sc_vector_subcore>, window_params = [{transform_indices = #map}, {transform_indices = #map1}, {transform_indices = #map1}, {transform_indices = #map}, {transform_indices = #map1}]} {
    %mul3A = arith.constant 16 : i32
    %mul3A_0 = arith.muli %arg0, %mul3A : i32
    %add3A = arith.addi %mul3A_0, %arg1 : i32
    %mul3A_1 = arith.constant 632 : i32
    %mul3A_2 = arith.muli %arg1, %mul3A_1 : i32
    "tpu.region"() ({
      %run_scoped3A = tpu.sem_alloc : memref<!tpu.dma_semaphore, #tpu.memory_space<semaphore_mem>>
      %dma_start3A = arith.constant 0 : i32
      %dma_start3A_9 = tpu.memref_slice %arg7[%mul3A_2, %dma_start3A] : memref<10112x128xf32, #tpu.memory_space<vmem_shared>> -> memref<632x128xf32, #tpu.memory_space<vmem_shared>>
      tpu.enqueue_dma source(%arg5 : memref<632x128xf32, #tpu.memory_space<hbm>>) target(%dma_start3A_9 : memref<632x128xf32, #tpu.memory_space<vmem_shared>>) target_semaphore(%run_scoped3A : memref<!tpu.dma_semaphore, #tpu.memory_space<semaphore_mem>>)
      %dma_wait3A = arith.constant 0 : i32
      %dma_wait3A_10 = tpu.memref_slice %arg7[%mul3A_2, %dma_wait3A] : memref<10112x128xf32, #tpu.memory_space<vmem_shared>> -> memref<632x128xf32, #tpu.memory_space<vmem_shared>>
      tpu.wait_dma2 semaphore(%run_scoped3A : memref<!tpu.dma_semaphore, #tpu.memory_space<semaphore_mem>>) src(%arg5 : memref<632x128xf32, #tpu.memory_space<hbm>>) dst(%dma_wait3A_10 : memref<632x128xf32, #tpu.memory_space<vmem_shared>>)
      tpu.yield
    }) : () -> ()
    %barrier3A = arith.constant 0 : index
    tpu.barrier barrier_id(%barrier3A)
    %scan3A = arith.constant 0 : i32
    %scan3A_3 = arith.constant 0 : i32
    %scan3A_4 = arith.constant 2 : i32
    %scan3A_5 = arith.addi %scan3A_3, %scan3A_4 : i32
    %scan3A_6 = arith.constant 1 : i32
    scf.for %scan3A_9 = %scan3A_3 to %scan3A_5 step %scan3A_6  : i32 {
      %mul3A_10 = arith.constant 40 : i32
      %mul3A_11 = arith.muli %scan3A_9, %mul3A_10 : i32
      "tpu.region"() ({
        %run_scoped3A = tpu.sem_alloc : memref<!tpu.dma_semaphore, #tpu.memory_space<semaphore_mem>>
        %dma_start3A = arith.constant 0 : i32
        %dma_start3A_20 = tpu.memref_slice %arg3[%add3A, %mul3A_11, %dma_start3A] : memref<32x80x128xi32, #tpu.memory_space<hbm>> -> memref<1x40x128xi32, #tpu.memory_space<hbm>>
        %dma_start3A_21 = tpu.memref_squeeze %dma_start3A_20 : memref<1x40x128xi32, #tpu.memory_space<hbm>> -> memref<40x128xi32, #tpu.memory_space<hbm>>
        %dma_start3A_22 = arith.constant 0 : i32
        %dma_start3A_23 = tpu.memref_slice %arg3[%add3A, %mul3A_11, %dma_start3A_22] : memref<32x80x128xi32, #tpu.memory_space<hbm>> -> memref<1x40x128xi32, #tpu.memory_space<hbm>>
        %dma_start3A_24 = tpu.memref_squeeze %dma_start3A_23 : memref<1x40x128xi32, #tpu.memory_space<hbm>> -> memref<40x128xi32, #tpu.memory_space<hbm>>
        tpu.enqueue_dma source(%dma_start3A_24 : memref<40x128xi32, #tpu.memory_space<hbm>>) target(%arg8 : memref<40x128xi32, #tpu.memory_space<vmem>>) target_semaphore(%run_scoped3A : memref<!tpu.dma_semaphore, #tpu.memory_space<semaphore_mem>>)
        %dma_wait3A = arith.constant 0 : i32
        %dma_wait3A_25 = tpu.memref_slice %arg3[%add3A, %mul3A_11, %dma_wait3A] : memref<32x80x128xi32, #tpu.memory_space<hbm>> -> memref<1x40x128xi32, #tpu.memory_space<hbm>>
        %dma_wait3A_26 = tpu.memref_squeeze %dma_wait3A_25 : memref<1x40x128xi32, #tpu.memory_space<hbm>> -> memref<40x128xi32, #tpu.memory_space<hbm>>
        %dma_wait3A_27 = arith.constant 0 : i32
        %dma_wait3A_28 = tpu.memref_slice %arg3[%add3A, %mul3A_11, %dma_wait3A_27] : memref<32x80x128xi32, #tpu.memory_space<hbm>> -> memref<1x40x128xi32, #tpu.memory_space<hbm>>
        %dma_wait3A_29 = tpu.memref_squeeze %dma_wait3A_28 : memref<1x40x128xi32, #tpu.memory_space<hbm>> -> memref<40x128xi32, #tpu.memory_space<hbm>>
        tpu.wait_dma2 semaphore(%run_scoped3A : memref<!tpu.dma_semaphore, #tpu.memory_space<semaphore_mem>>) src(%dma_wait3A_29 : memref<40x128xi32, #tpu.memory_space<hbm>>) dst(%arg8 : memref<40x128xi32, #tpu.memory_space<vmem>>)
        tpu.yield
      }) : () -> ()
      %mul3A_12 = arith.constant 40 : i32
      %mul3A_13 = arith.muli %scan3A_9, %mul3A_12 : i32
      "tpu.region"() ({
        %run_scoped3A = tpu.sem_alloc : memref<!tpu.dma_semaphore, #tpu.memory_space<semaphore_mem>>
        %dma_start3A = arith.constant 0 : i32
        %dma_start3A_20 = tpu.memref_slice %arg4[%add3A, %mul3A_13, %dma_start3A] : memref<32x80x128xi32, #tpu.memory_space<hbm>> -> memref<1x40x128xi32, #tpu.memory_space<hbm>>
        %dma_start3A_21 = tpu.memref_squeeze %dma_start3A_20 : memref<1x40x128xi32, #tpu.memory_space<hbm>> -> memref<40x128xi32, #tpu.memory_space<hbm>>
        %dma_start3A_22 = arith.constant 0 : i32
        %dma_start3A_23 = tpu.memref_slice %arg4[%add3A, %mul3A_13, %dma_start3A_22] : memref<32x80x128xi32, #tpu.memory_space<hbm>> -> memref<1x40x128xi32, #tpu.memory_space<hbm>>
        %dma_start3A_24 = tpu.memref_squeeze %dma_start3A_23 : memref<1x40x128xi32, #tpu.memory_space<hbm>> -> memref<40x128xi32, #tpu.memory_space<hbm>>
        tpu.enqueue_dma source(%dma_start3A_24 : memref<40x128xi32, #tpu.memory_space<hbm>>) target(%arg9 : memref<40x128xi32, #tpu.memory_space<vmem>>) target_semaphore(%run_scoped3A : memref<!tpu.dma_semaphore, #tpu.memory_space<semaphore_mem>>)
        %dma_wait3A = arith.constant 0 : i32
        %dma_wait3A_25 = tpu.memref_slice %arg4[%add3A, %mul3A_13, %dma_wait3A] : memref<32x80x128xi32, #tpu.memory_space<hbm>> -> memref<1x40x128xi32, #tpu.memory_space<hbm>>
        %dma_wait3A_26 = tpu.memref_squeeze %dma_wait3A_25 : memref<1x40x128xi32, #tpu.memory_space<hbm>> -> memref<40x128xi32, #tpu.memory_space<hbm>>
        %dma_wait3A_27 = arith.constant 0 : i32
        %dma_wait3A_28 = tpu.memref_slice %arg4[%add3A, %mul3A_13, %dma_wait3A_27] : memref<32x80x128xi32, #tpu.memory_space<hbm>> -> memref<1x40x128xi32, #tpu.memory_space<hbm>>
        %dma_wait3A_29 = tpu.memref_squeeze %dma_wait3A_28 : memref<1x40x128xi32, #tpu.memory_space<hbm>> -> memref<40x128xi32, #tpu.memory_space<hbm>>
        tpu.wait_dma2 semaphore(%run_scoped3A : memref<!tpu.dma_semaphore, #tpu.memory_space<semaphore_mem>>) src(%dma_wait3A_29 : memref<40x128xi32, #tpu.memory_space<hbm>>) dst(%arg9 : memref<40x128xi32, #tpu.memory_space<vmem>>)
        tpu.yield
      }) : () -> ()
      %scan3A_14 = arith.constant 0 : i32
      %scan3A_15 = arith.constant 0 : i32
      %scan3A_16 = arith.constant 21 : i32
      %scan3A_17 = arith.addi %scan3A_15, %scan3A_16 : i32
      %scan3A_18 = arith.constant 1 : i32
      scf.for %scan3A_20 = %scan3A_15 to %scan3A_17 step %scan3A_18  : i32 {
        %mul3A_21 = arith.constant 2 : i32
        %mul3A_22 = arith.muli %scan3A_20, %mul3A_21 : i32
        %add3A_23 = arith.constant 0 : i32
        %add3A_24 = arith.addi %mul3A_22, %add3A_23 : i32
        %lt3A = arith.constant 40 : i32
        %lt3A_25 = arith.cmpi slt, %add3A_24, %lt3A : i32
        %convert_element_type3A = arith.extui %lt3A_25 : i1 to i32
        %cond3A = arith.constant 0 : i32
        %cond3A_26 = arith.cmpi ne, %convert_element_type3A, %cond3A : i32
        scf.if %cond3A_26 {
          %dma_start3A = arith.constant 0 : i32
          %dma_start3A_49 = tpu.memref_slice %arg8[%add3A_24, %dma_start3A] : memref<40x128xi32, #tpu.memory_space<vmem>> -> memref<1x128xi32, #tpu.memory_space<vmem>>
          %dma_start3A_50 = tpu.memref_squeeze %dma_start3A_49 : memref<1x128xi32, #tpu.memory_space<vmem>> -> memref<128xi32, #tpu.memory_space<vmem>>
          %dma_start3A_51 = arith.constant 0 : i32
          %dma_start3A_52 = arith.constant 0 : i32
          %dma_start3A_53 = tpu.memref_slice %arg2[%dma_start3A_51, %dma_start3A_52] : memref<10112x128xf32, #tpu.memory_space<hbm>> -> memref<10112x128xf32, #tpu.memory_space<hbm>>
          tpu.enqueue_indirect_dma source(%dma_start3A_53 : memref<10112x128xf32, #tpu.memory_space<hbm>>) target(%arg10 : memref<128x128xf32, #tpu.memory_space<vmem>>) offsets(%dma_start3A_50 : memref<128xi32, #tpu.memory_space<vmem>>) semaphore(%arg12 : memref<!tpu.dma_semaphore, #tpu.memory_space<semaphore_mem>>)
        } else {
        }
        %ge3A = arith.constant 1 : i32
        %ge3A_27 = arith.cmpi sge, %add3A_24, %ge3A : i32
        %le3A = arith.constant 40 : i32
        %le3A_28 = arith.cmpi sle, %add3A_24, %le3A : i32
        %and3A = arith.andi %ge3A_27, %le3A_28 : i1
        %convert_element_type3A_29 = arith.extui %and3A : i1 to i32
        %cond3A_30 = arith.constant 0 : i32
        %cond3A_31 = arith.cmpi ne, %convert_element_type3A_29, %cond3A_30 : i32
        scf.if %cond3A_31 {
          %sub3A = arith.constant 1 : i32
          %sub3A_49 = arith.subi %add3A_24, %sub3A : i32
          %dma_wait3A = arith.constant 0 : i32
          %dma_wait3A_50 = tpu.memref_slice %arg8[%sub3A_49, %dma_wait3A] : memref<40x128xi32, #tpu.memory_space<vmem>> -> memref<1x128xi32, #tpu.memory_space<vmem>>
          %dma_wait3A_51 = tpu.memref_squeeze %dma_wait3A_50 : memref<1x128xi32, #tpu.memory_space<vmem>> -> memref<128xi32, #tpu.memory_space<vmem>>
          %dma_wait3A_52 = arith.constant 0 : i32
          %dma_wait3A_53 = arith.constant 0 : i32
          %dma_wait3A_54 = tpu.memref_slice %arg2[%dma_wait3A_52, %dma_wait3A_53] : memref<10112x128xf32, #tpu.memory_space<hbm>> -> memref<10112x128xf32, #tpu.memory_space<hbm>>
          tpu.wait_indirect_dma semaphore(%arg13 : memref<!tpu.dma_semaphore, #tpu.memory_space<semaphore_mem>>) src(%dma_wait3A_54 : memref<10112x128xf32, #tpu.memory_space<hbm>>) dst(%arg11 : memref<128x128xf32, #tpu.memory_space<vmem>>)
          %sub3A_55 = arith.constant 1 : i32
          %sub3A_56 = arith.subi %add3A_24, %sub3A_55 : i32
          "tpu.region"() ({
            %run_scoped3A = tpu.sem_alloc : memref<!tpu.dma_semaphore, #tpu.memory_space<semaphore_mem>>
            %dma_start3A = arith.constant 0 : i32
            %dma_start3A_57 = tpu.memref_slice %arg9[%sub3A_56, %dma_start3A] : memref<40x128xi32, #tpu.memory_space<vmem>> -> memref<1x128xi32, #tpu.memory_space<vmem>>
            %dma_start3A_58 = tpu.memref_squeeze %dma_start3A_57 : memref<1x128xi32, #tpu.memory_space<vmem>> -> memref<128xi32, #tpu.memory_space<vmem>>
            %dma_start3A_59 = arith.constant 0 : i32
            %dma_start3A_60 = arith.constant 0 : i32
            %dma_start3A_61 = tpu.memref_slice %arg7[%dma_start3A_59, %dma_start3A_60] : memref<10112x128xf32, #tpu.memory_space<vmem_shared>> -> memref<10112x128xf32, #tpu.memory_space<vmem_shared>>
            tpu.enqueue_indirect_dma source(%arg11 : memref<128x128xf32, #tpu.memory_space<vmem>>) target(%dma_start3A_61 : memref<10112x128xf32, #tpu.memory_space<vmem_shared>>) offsets(%dma_start3A_58 : memref<128xi32, #tpu.memory_space<vmem>>) semaphore(%run_scoped3A : memref<!tpu.dma_semaphore, #tpu.memory_space<semaphore_mem>>) {add = true}
            %dma_wait3A_62 = arith.constant 0 : i32
            %dma_wait3A_63 = tpu.memref_slice %arg9[%sub3A_56, %dma_wait3A_62] : memref<40x128xi32, #tpu.memory_space<vmem>> -> memref<1x128xi32, #tpu.memory_space<vmem>>
            %dma_wait3A_64 = tpu.memref_squeeze %dma_wait3A_63 : memref<1x128xi32, #tpu.memory_space<vmem>> -> memref<128xi32, #tpu.memory_space<vmem>>
            %dma_wait3A_65 = arith.constant 0 : i32
            %dma_wait3A_66 = arith.constant 0 : i32
            %dma_wait3A_67 = tpu.memref_slice %arg7[%dma_wait3A_65, %dma_wait3A_66] : memref<10112x128xf32, #tpu.memory_space<vmem_shared>> -> memref<10112x128xf32, #tpu.memory_space<vmem_shared>>
            tpu.wait_indirect_dma semaphore(%run_scoped3A : memref<!tpu.dma_semaphore, #tpu.memory_space<semaphore_mem>>) src(%arg11 : memref<128x128xf32, #tpu.memory_space<vmem>>) dst(%dma_wait3A_67 : memref<10112x128xf32, #tpu.memory_space<vmem_shared>>)
            tpu.yield
          }) : () -> ()
        } else {
        }
        %mul3A_32 = arith.constant 2 : i32
        %mul3A_33 = arith.muli %scan3A_20, %mul3A_32 : i32
        %add3A_34 = arith.constant 1 : i32
        %add3A_35 = arith.addi %mul3A_33, %add3A_34 : i32
        %lt3A_36 = arith.constant 40 : i32
        %lt3A_37 = arith.cmpi slt, %add3A_35, %lt3A_36 : i32
        %convert_element_type3A_38 = arith.extui %lt3A_37 : i1 to i32
        %cond3A_39 = arith.constant 0 : i32
        %cond3A_40 = arith.cmpi ne, %convert_element_type3A_38, %cond3A_39 : i32
        scf.if %cond3A_40 {
          %dma_start3A = arith.constant 0 : i32
          %dma_start3A_49 = tpu.memref_slice %arg8[%add3A_35, %dma_start3A] : memref<40x128xi32, #tpu.memory_space<vmem>> -> memref<1x128xi32, #tpu.memory_space<vmem>>
          %dma_start3A_50 = tpu.memref_squeeze %dma_start3A_49 : memref<1x128xi32, #tpu.memory_space<vmem>> -> memref<128xi32, #tpu.memory_space<vmem>>
          %dma_start3A_51 = arith.constant 0 : i32
          %dma_start3A_52 = arith.constant 0 : i32
          %dma_start3A_53 = tpu.memref_slice %arg2[%dma_start3A_51, %dma_start3A_52] : memref<10112x128xf32, #tpu.memory_space<hbm>> -> memref<10112x128xf32, #tpu.memory_space<hbm>>
          tpu.enqueue_indirect_dma source(%dma_start3A_53 : memref<10112x128xf32, #tpu.memory_space<hbm>>) target(%arg11 : memref<128x128xf32, #tpu.memory_space<vmem>>) offsets(%dma_start3A_50 : memref<128xi32, #tpu.memory_space<vmem>>) semaphore(%arg13 : memref<!tpu.dma_semaphore, #tpu.memory_space<semaphore_mem>>)
        } else {
        }
        %ge3A_41 = arith.constant 1 : i32
        %ge3A_42 = arith.cmpi sge, %add3A_35, %ge3A_41 : i32
        %le3A_43 = arith.constant 40 : i32
        %le3A_44 = arith.cmpi sle, %add3A_35, %le3A_43 : i32
        %and3A_45 = arith.andi %ge3A_42, %le3A_44 : i1
        %convert_element_type3A_46 = arith.extui %and3A_45 : i1 to i32
        %cond3A_47 = arith.constant 0 : i32
        %cond3A_48 = arith.cmpi ne, %convert_element_type3A_46, %cond3A_47 : i32
        scf.if %cond3A_48 {
          %sub3A = arith.constant 1 : i32
          %sub3A_49 = arith.subi %add3A_35, %sub3A : i32
          %dma_wait3A = arith.constant 0 : i32
          %dma_wait3A_50 = tpu.memref_slice %arg8[%sub3A_49, %dma_wait3A] : memref<40x128xi32, #tpu.memory_space<vmem>> -> memref<1x128xi32, #tpu.memory_space<vmem>>
          %dma_wait3A_51 = tpu.memref_squeeze %dma_wait3A_50 : memref<1x128xi32, #tpu.memory_space<vmem>> -> memref<128xi32, #tpu.memory_space<vmem>>
          %dma_wait3A_52 = arith.constant 0 : i32
          %dma_wait3A_53 = arith.constant 0 : i32
          %dma_wait3A_54 = tpu.memref_slice %arg2[%dma_wait3A_52, %dma_wait3A_53] : memref<10112x128xf32, #tpu.memory_space<hbm>> -> memref<10112x128xf32, #tpu.memory_space<hbm>>
          tpu.wait_indirect_dma semaphore(%arg12 : memref<!tpu.dma_semaphore, #tpu.memory_space<semaphore_mem>>) src(%dma_wait3A_54 : memref<10112x128xf32, #tpu.memory_space<hbm>>) dst(%arg10 : memref<128x128xf32, #tpu.memory_space<vmem>>)
          %sub3A_55 = arith.constant 1 : i32
          %sub3A_56 = arith.subi %add3A_35, %sub3A_55 : i32
          "tpu.region"() ({
            %run_scoped3A = tpu.sem_alloc : memref<!tpu.dma_semaphore, #tpu.memory_space<semaphore_mem>>
            %dma_start3A = arith.constant 0 : i32
            %dma_start3A_57 = tpu.memref_slice %arg9[%sub3A_56, %dma_start3A] : memref<40x128xi32, #tpu.memory_space<vmem>> -> memref<1x128xi32, #tpu.memory_space<vmem>>
            %dma_start3A_58 = tpu.memref_squeeze %dma_start3A_57 : memref<1x128xi32, #tpu.memory_space<vmem>> -> memref<128xi32, #tpu.memory_space<vmem>>
            %dma_start3A_59 = arith.constant 0 : i32
            %dma_start3A_60 = arith.constant 0 : i32
            %dma_start3A_61 = tpu.memref_slice %arg7[%dma_start3A_59, %dma_start3A_60] : memref<10112x128xf32, #tpu.memory_space<vmem_shared>> -> memref<10112x128xf32, #tpu.memory_space<vmem_shared>>
            tpu.enqueue_indirect_dma source(%arg10 : memref<128x128xf32, #tpu.memory_space<vmem>>) target(%dma_start3A_61 : memref<10112x128xf32, #tpu.memory_space<vmem_shared>>) offsets(%dma_start3A_58 : memref<128xi32, #tpu.memory_space<vmem>>) semaphore(%run_scoped3A : memref<!tpu.dma_semaphore, #tpu.memory_space<semaphore_mem>>) {add = true}
            %dma_wait3A_62 = arith.constant 0 : i32
            %dma_wait3A_63 = tpu.memref_slice %arg9[%sub3A_56, %dma_wait3A_62] : memref<40x128xi32, #tpu.memory_space<vmem>> -> memref<1x128xi32, #tpu.memory_space<vmem>>
            %dma_wait3A_64 = tpu.memref_squeeze %dma_wait3A_63 : memref<1x128xi32, #tpu.memory_space<vmem>> -> memref<128xi32, #tpu.memory_space<vmem>>
            %dma_wait3A_65 = arith.constant 0 : i32
            %dma_wait3A_66 = arith.constant 0 : i32
            %dma_wait3A_67 = tpu.memref_slice %arg7[%dma_wait3A_65, %dma_wait3A_66] : memref<10112x128xf32, #tpu.memory_space<vmem_shared>> -> memref<10112x128xf32, #tpu.memory_space<vmem_shared>>
            tpu.wait_indirect_dma semaphore(%run_scoped3A : memref<!tpu.dma_semaphore, #tpu.memory_space<semaphore_mem>>) src(%arg10 : memref<128x128xf32, #tpu.memory_space<vmem>>) dst(%dma_wait3A_67 : memref<10112x128xf32, #tpu.memory_space<vmem_shared>>)
            tpu.yield
          }) : () -> ()
        } else {
        }
      }
      %scan3A_19 = arith.constant 21 : i32
    }
    %scan3A_7 = arith.constant 2 : i32
    %barrier3A_8 = arith.constant 0 : index
    tpu.barrier barrier_id(%barrier3A_8)
    "tpu.region"() ({
      %run_scoped3A = tpu.sem_alloc : memref<!tpu.dma_semaphore, #tpu.memory_space<semaphore_mem>>
      %dma_start3A = arith.constant 0 : i32
      %dma_start3A_9 = tpu.memref_slice %arg6[%arg0, %mul3A_2, %dma_start3A] : memref<2x10112x128xf32, #tpu.memory_space<hbm>> -> memref<1x632x128xf32, #tpu.memory_space<hbm>>
      %dma_start3A_10 = tpu.memref_squeeze %dma_start3A_9 : memref<1x632x128xf32, #tpu.memory_space<hbm>> -> memref<632x128xf32, #tpu.memory_space<hbm>>
      %dma_start3A_11 = arith.constant 0 : i32
      %dma_start3A_12 = tpu.memref_slice %arg7[%mul3A_2, %dma_start3A_11] : memref<10112x128xf32, #tpu.memory_space<vmem_shared>> -> memref<632x128xf32, #tpu.memory_space<vmem_shared>>
      tpu.enqueue_dma source(%dma_start3A_12 : memref<632x128xf32, #tpu.memory_space<vmem_shared>>) target(%dma_start3A_10 : memref<632x128xf32, #tpu.memory_space<hbm>>) target_semaphore(%run_scoped3A : memref<!tpu.dma_semaphore, #tpu.memory_space<semaphore_mem>>)
      %dma_wait3A = arith.constant 0 : i32
      %dma_wait3A_13 = tpu.memref_slice %arg6[%arg0, %mul3A_2, %dma_wait3A] : memref<2x10112x128xf32, #tpu.memory_space<hbm>> -> memref<1x632x128xf32, #tpu.memory_space<hbm>>
      %dma_wait3A_14 = tpu.memref_squeeze %dma_wait3A_13 : memref<1x632x128xf32, #tpu.memory_space<hbm>> -> memref<632x128xf32, #tpu.memory_space<hbm>>
      %dma_wait3A_15 = arith.constant 0 : i32
      %dma_wait3A_16 = tpu.memref_slice %arg7[%mul3A_2, %dma_wait3A_15] : memref<10112x128xf32, #tpu.memory_space<vmem_shared>> -> memref<632x128xf32, #tpu.memory_space<vmem_shared>>
      tpu.wait_dma2 semaphore(%run_scoped3A : memref<!tpu.dma_semaphore, #tpu.memory_space<semaphore_mem>>) src(%dma_wait3A_16 : memref<632x128xf32, #tpu.memory_space<vmem_shared>>) dst(%dma_wait3A_14 : memref<632x128xf32, #tpu.memory_space<hbm>>)
      tpu.yield
    }) : () -> ()
    return
  }
}

#map = affine_map<(d0, d1) -> (0, 0, 0)>
#map1 = affine_map<(d0, d1) -> (0, 0)>
module attributes {stable_mosaic.version = 14 : i64} {
  func.func @_hist_kernel(%arg0: i32, %arg1: i32, %arg2: memref<32x80x128xi32, #tpu.memory_space<hbm>>, %arg3: memref<128x128xf32, #tpu.memory_space<hbm>>, %arg4: memref<632x128xf32, #tpu.memory_space<hbm>>, %arg5: memref<2x10112x128xf32, #tpu.memory_space<hbm>>, %arg6: memref<10112x128xf32, #tpu.memory_space<vmem_shared>>, %arg7: memref<80x128xi32, #tpu.memory_space<vmem>>, %arg8: memref<128x128xf32, #tpu.memory_space<vmem>>, %arg9: memref<!tpu.dma_semaphore, #tpu.memory_space<semaphore_mem>>) attributes {dimension_semantics = [#tpu.dimension_semantics<core_parallel>, #tpu.dimension_semantics<subcore_parallel>], iteration_bounds = array<i64: 2, 16>, scalar_prefetch = 0 : i64, scratch_operands = 4 : i64, tpu.core_type = #tpu.core_type<sc_vector_subcore>, window_params = [{transform_indices = #map}, {transform_indices = #map1}, {transform_indices = #map1}, {transform_indices = #map}]} {
    %mul3A = arith.constant 16 : i32
    %mul3A_0 = arith.muli %arg0, %mul3A : i32
    %add3A = arith.addi %mul3A_0, %arg1 : i32
    "tpu.region"() ({
      %run_scoped3A = tpu.sem_alloc : memref<!tpu.dma_semaphore, #tpu.memory_space<semaphore_mem>>
      %dma_start3A = arith.constant 0 : i32
      %dma_start3A_15 = arith.constant 0 : i32
      %dma_start3A_16 = tpu.memref_slice %arg2[%add3A, %dma_start3A, %dma_start3A_15] : memref<32x80x128xi32, #tpu.memory_space<hbm>> -> memref<1x80x128xi32, #tpu.memory_space<hbm>>
      %dma_start3A_17 = tpu.memref_squeeze %dma_start3A_16 : memref<1x80x128xi32, #tpu.memory_space<hbm>> -> memref<80x128xi32, #tpu.memory_space<hbm>>
      %dma_start3A_18 = arith.constant 0 : i32
      %dma_start3A_19 = arith.constant 0 : i32
      %dma_start3A_20 = tpu.memref_slice %arg2[%add3A, %dma_start3A_18, %dma_start3A_19] : memref<32x80x128xi32, #tpu.memory_space<hbm>> -> memref<1x80x128xi32, #tpu.memory_space<hbm>>
      %dma_start3A_21 = tpu.memref_squeeze %dma_start3A_20 : memref<1x80x128xi32, #tpu.memory_space<hbm>> -> memref<80x128xi32, #tpu.memory_space<hbm>>
      tpu.enqueue_dma source(%dma_start3A_21 : memref<80x128xi32, #tpu.memory_space<hbm>>) target(%arg7 : memref<80x128xi32, #tpu.memory_space<vmem>>) target_semaphore(%run_scoped3A : memref<!tpu.dma_semaphore, #tpu.memory_space<semaphore_mem>>)
      %dma_wait3A = arith.constant 0 : i32
      %dma_wait3A_22 = arith.constant 0 : i32
      %dma_wait3A_23 = tpu.memref_slice %arg2[%add3A, %dma_wait3A, %dma_wait3A_22] : memref<32x80x128xi32, #tpu.memory_space<hbm>> -> memref<1x80x128xi32, #tpu.memory_space<hbm>>
      %dma_wait3A_24 = tpu.memref_squeeze %dma_wait3A_23 : memref<1x80x128xi32, #tpu.memory_space<hbm>> -> memref<80x128xi32, #tpu.memory_space<hbm>>
      %dma_wait3A_25 = arith.constant 0 : i32
      %dma_wait3A_26 = arith.constant 0 : i32
      %dma_wait3A_27 = tpu.memref_slice %arg2[%add3A, %dma_wait3A_25, %dma_wait3A_26] : memref<32x80x128xi32, #tpu.memory_space<hbm>> -> memref<1x80x128xi32, #tpu.memory_space<hbm>>
      %dma_wait3A_28 = tpu.memref_squeeze %dma_wait3A_27 : memref<1x80x128xi32, #tpu.memory_space<hbm>> -> memref<80x128xi32, #tpu.memory_space<hbm>>
      tpu.wait_dma2 semaphore(%run_scoped3A : memref<!tpu.dma_semaphore, #tpu.memory_space<semaphore_mem>>) src(%dma_wait3A_28 : memref<80x128xi32, #tpu.memory_space<hbm>>) dst(%arg7 : memref<80x128xi32, #tpu.memory_space<vmem>>)
      tpu.yield
    }) : () -> ()
    "tpu.region"() ({
      %run_scoped3A = tpu.sem_alloc : memref<!tpu.dma_semaphore, #tpu.memory_space<semaphore_mem>>
      tpu.enqueue_dma source(%arg3 : memref<128x128xf32, #tpu.memory_space<hbm>>) target(%arg8 : memref<128x128xf32, #tpu.memory_space<vmem>>) target_semaphore(%run_scoped3A : memref<!tpu.dma_semaphore, #tpu.memory_space<semaphore_mem>>)
      tpu.wait_dma2 semaphore(%run_scoped3A : memref<!tpu.dma_semaphore, #tpu.memory_space<semaphore_mem>>) src(%arg3 : memref<128x128xf32, #tpu.memory_space<hbm>>) dst(%arg8 : memref<128x128xf32, #tpu.memory_space<vmem>>)
      tpu.yield
    }) : () -> ()
    %mul3A_1 = arith.constant 632 : i32
    %mul3A_2 = arith.muli %arg1, %mul3A_1 : i32
    "tpu.region"() ({
      %run_scoped3A = tpu.sem_alloc : memref<!tpu.dma_semaphore, #tpu.memory_space<semaphore_mem>>
      %dma_start3A = arith.constant 0 : i32
      %dma_start3A_15 = tpu.memref_slice %arg6[%mul3A_2, %dma_start3A] : memref<10112x128xf32, #tpu.memory_space<vmem_shared>> -> memref<632x128xf32, #tpu.memory_space<vmem_shared>>
      tpu.enqueue_dma source(%arg4 : memref<632x128xf32, #tpu.memory_space<hbm>>) target(%dma_start3A_15 : memref<632x128xf32, #tpu.memory_space<vmem_shared>>) target_semaphore(%run_scoped3A : memref<!tpu.dma_semaphore, #tpu.memory_space<semaphore_mem>>)
      %dma_wait3A = arith.constant 0 : i32
      %dma_wait3A_16 = tpu.memref_slice %arg6[%mul3A_2, %dma_wait3A] : memref<10112x128xf32, #tpu.memory_space<vmem_shared>> -> memref<632x128xf32, #tpu.memory_space<vmem_shared>>
      tpu.wait_dma2 semaphore(%run_scoped3A : memref<!tpu.dma_semaphore, #tpu.memory_space<semaphore_mem>>) src(%arg4 : memref<632x128xf32, #tpu.memory_space<hbm>>) dst(%dma_wait3A_16 : memref<632x128xf32, #tpu.memory_space<vmem_shared>>)
      tpu.yield
    }) : () -> ()
    %barrier3A = arith.constant 0 : index
    tpu.barrier barrier_id(%barrier3A)
    %scan3A = arith.constant 0 : i32
    %scan3A_3 = arith.constant 0 : i32
    %scan3A_4 = arith.constant 80 : i32
    %scan3A_5 = arith.addi %scan3A_3, %scan3A_4 : i32
    %scan3A_6 = arith.constant 1 : i32
    scf.for %scan3A_15 = %scan3A_3 to %scan3A_5 step %scan3A_6  : i32 {
      %dma_start3A = arith.constant 0 : i32
      %dma_start3A_16 = tpu.memref_slice %arg7[%scan3A_15, %dma_start3A] : memref<80x128xi32, #tpu.memory_space<vmem>> -> memref<1x128xi32, #tpu.memory_space<vmem>>
      %dma_start3A_17 = tpu.memref_squeeze %dma_start3A_16 : memref<1x128xi32, #tpu.memory_space<vmem>> -> memref<128xi32, #tpu.memory_space<vmem>>
      %dma_start3A_18 = arith.constant 0 : i32
      %dma_start3A_19 = arith.constant 0 : i32
      %dma_start3A_20 = tpu.memref_slice %arg6[%dma_start3A_18, %dma_start3A_19] : memref<10112x128xf32, #tpu.memory_space<vmem_shared>> -> memref<10112x128xf32, #tpu.memory_space<vmem_shared>>
      tpu.enqueue_indirect_dma source(%arg8 : memref<128x128xf32, #tpu.memory_space<vmem>>) target(%dma_start3A_20 : memref<10112x128xf32, #tpu.memory_space<vmem_shared>>) offsets(%dma_start3A_17 : memref<128xi32, #tpu.memory_space<vmem>>) semaphore(%arg9 : memref<!tpu.dma_semaphore, #tpu.memory_space<semaphore_mem>>) {add = true}
    }
    %scan3A_7 = arith.constant 80 : i32
    %scan3A_8 = arith.constant 0 : i32
    %scan3A_9 = arith.constant 0 : i32
    %scan3A_10 = arith.constant 80 : i32
    %scan3A_11 = arith.addi %scan3A_9, %scan3A_10 : i32
    %scan3A_12 = arith.constant 1 : i32
    scf.for %scan3A_15 = %scan3A_9 to %scan3A_11 step %scan3A_12  : i32 {
      %dma_wait3A = arith.constant 0 : i32
      %dma_wait3A_16 = tpu.memref_slice %arg7[%scan3A_15, %dma_wait3A] : memref<80x128xi32, #tpu.memory_space<vmem>> -> memref<1x128xi32, #tpu.memory_space<vmem>>
      %dma_wait3A_17 = tpu.memref_squeeze %dma_wait3A_16 : memref<1x128xi32, #tpu.memory_space<vmem>> -> memref<128xi32, #tpu.memory_space<vmem>>
      %dma_wait3A_18 = arith.constant 0 : i32
      %dma_wait3A_19 = arith.constant 0 : i32
      %dma_wait3A_20 = tpu.memref_slice %arg6[%dma_wait3A_18, %dma_wait3A_19] : memref<10112x128xf32, #tpu.memory_space<vmem_shared>> -> memref<10112x128xf32, #tpu.memory_space<vmem_shared>>
      tpu.wait_indirect_dma semaphore(%arg9 : memref<!tpu.dma_semaphore, #tpu.memory_space<semaphore_mem>>) src(%arg8 : memref<128x128xf32, #tpu.memory_space<vmem>>) dst(%dma_wait3A_20 : memref<10112x128xf32, #tpu.memory_space<vmem_shared>>)
    }
    %scan3A_13 = arith.constant 80 : i32
    %barrier3A_14 = arith.constant 0 : index
    tpu.barrier barrier_id(%barrier3A_14)
    "tpu.region"() ({
      %run_scoped3A = tpu.sem_alloc : memref<!tpu.dma_semaphore, #tpu.memory_space<semaphore_mem>>
      %dma_start3A = arith.constant 0 : i32
      %dma_start3A_15 = tpu.memref_slice %arg5[%arg0, %mul3A_2, %dma_start3A] : memref<2x10112x128xf32, #tpu.memory_space<hbm>> -> memref<1x632x128xf32, #tpu.memory_space<hbm>>
      %dma_start3A_16 = tpu.memref_squeeze %dma_start3A_15 : memref<1x632x128xf32, #tpu.memory_space<hbm>> -> memref<632x128xf32, #tpu.memory_space<hbm>>
      %dma_start3A_17 = arith.constant 0 : i32
      %dma_start3A_18 = tpu.memref_slice %arg6[%mul3A_2, %dma_start3A_17] : memref<10112x128xf32, #tpu.memory_space<vmem_shared>> -> memref<632x128xf32, #tpu.memory_space<vmem_shared>>
      tpu.enqueue_dma source(%dma_start3A_18 : memref<632x128xf32, #tpu.memory_space<vmem_shared>>) target(%dma_start3A_16 : memref<632x128xf32, #tpu.memory_space<hbm>>) target_semaphore(%run_scoped3A : memref<!tpu.dma_semaphore, #tpu.memory_space<semaphore_mem>>)
      %dma_wait3A = arith.constant 0 : i32
      %dma_wait3A_19 = tpu.memref_slice %arg5[%arg0, %mul3A_2, %dma_wait3A] : memref<2x10112x128xf32, #tpu.memory_space<hbm>> -> memref<1x632x128xf32, #tpu.memory_space<hbm>>
      %dma_wait3A_20 = tpu.memref_squeeze %dma_wait3A_19 : memref<1x632x128xf32, #tpu.memory_space<hbm>> -> memref<632x128xf32, #tpu.memory_space<hbm>>
      %dma_wait3A_21 = arith.constant 0 : i32
      %dma_wait3A_22 = tpu.memref_slice %arg6[%mul3A_2, %dma_wait3A_21] : memref<10112x128xf32, #tpu.memory_space<vmem_shared>> -> memref<632x128xf32, #tpu.memory_space<vmem_shared>>
      tpu.wait_dma2 semaphore(%run_scoped3A : memref<!tpu.dma_semaphore, #tpu.memory_space<semaphore_mem>>) src(%dma_wait3A_22 : memref<632x128xf32, #tpu.memory_space<vmem_shared>>) dst(%dma_wait3A_20 : memref<632x128xf32, #tpu.memory_space<hbm>>)
      tpu.yield
    }) : () -> ()
    return
  }
}

#map = affine_map<(d0, d1) -> (0, 0)>
#map1 = affine_map<(d0, d1) -> (0, 0, 0)>
module attributes {stable_mosaic.version = 14 : i64} {
  func.func @_agg(%arg0: i32, %arg1: i32, %arg2: memref<10000x128xf32, #tpu.memory_space<hbm>>, %arg3: memref<32x80x128xi32, #tpu.memory_space<hbm>>, %arg4: memref<32x80x128xi32, #tpu.memory_space<hbm>>, %arg5: memref<632x128xf32, #tpu.memory_space<hbm>>, %arg6: memref<2x10112x128xf32, #tpu.memory_space<hbm>>, %arg7: memref<10112x128xf32, #tpu.memory_space<vmem_shared>>, %arg8: memref<40x128xi32, #tpu.memory_space<vmem>>, %arg9: memref<40x128xi32, #tpu.memory_space<vmem>>, %arg10: memref<128x128xf32, #tpu.memory_space<vmem>>, %arg11: memref<128x128xf32, #tpu.memory_space<vmem>>, %arg12: memref<!tpu.dma_semaphore, #tpu.memory_space<semaphore_mem>>, %arg13: memref<!tpu.dma_semaphore, #tpu.memory_space<semaphore_mem>>) attributes {dimension_semantics = [#tpu.dimension_semantics<core_parallel>, #tpu.dimension_semantics<subcore_parallel>], iteration_bounds = array<i64: 2, 16>, scalar_prefetch = 0 : i64, scratch_operands = 7 : i64, tpu.core_type = #tpu.core_type<sc_vector_subcore>, window_params = [{transform_indices = #map}, {transform_indices = #map1}, {transform_indices = #map1}, {transform_indices = #map}, {transform_indices = #map1}]} {
    %mul3A = arith.constant 16 : i32
    %mul3A_0 = arith.muli %arg0, %mul3A : i32
    %add3A = arith.addi %mul3A_0, %arg1 : i32
    %mul3A_1 = arith.constant 632 : i32
    %mul3A_2 = arith.muli %arg1, %mul3A_1 : i32
    "tpu.region"() ({
      %run_scoped3A = tpu.sem_alloc : memref<!tpu.dma_semaphore, #tpu.memory_space<semaphore_mem>>
      %dma_start3A = arith.constant 0 : i32
      %dma_start3A_9 = tpu.memref_slice %arg7[%mul3A_2, %dma_start3A] : memref<10112x128xf32, #tpu.memory_space<vmem_shared>> -> memref<632x128xf32, #tpu.memory_space<vmem_shared>>
      tpu.enqueue_dma source(%arg5 : memref<632x128xf32, #tpu.memory_space<hbm>>) target(%dma_start3A_9 : memref<632x128xf32, #tpu.memory_space<vmem_shared>>) target_semaphore(%run_scoped3A : memref<!tpu.dma_semaphore, #tpu.memory_space<semaphore_mem>>)
      %dma_wait3A = arith.constant 0 : i32
      %dma_wait3A_10 = tpu.memref_slice %arg7[%mul3A_2, %dma_wait3A] : memref<10112x128xf32, #tpu.memory_space<vmem_shared>> -> memref<632x128xf32, #tpu.memory_space<vmem_shared>>
      tpu.wait_dma2 semaphore(%run_scoped3A : memref<!tpu.dma_semaphore, #tpu.memory_space<semaphore_mem>>) src(%arg5 : memref<632x128xf32, #tpu.memory_space<hbm>>) dst(%dma_wait3A_10 : memref<632x128xf32, #tpu.memory_space<vmem_shared>>)
      tpu.yield
    }) : () -> ()
    %barrier3A = arith.constant 0 : index
    tpu.barrier barrier_id(%barrier3A)
    %scan3A = arith.constant 0 : i32
    %scan3A_3 = arith.constant 0 : i32
    %scan3A_4 = arith.constant 2 : i32
    %scan3A_5 = arith.addi %scan3A_3, %scan3A_4 : i32
    %scan3A_6 = arith.constant 1 : i32
    scf.for %scan3A_9 = %scan3A_3 to %scan3A_5 step %scan3A_6  : i32 {
      %mul3A_10 = arith.constant 40 : i32
      %mul3A_11 = arith.muli %scan3A_9, %mul3A_10 : i32
      "tpu.region"() ({
        %run_scoped3A = tpu.sem_alloc : memref<!tpu.dma_semaphore, #tpu.memory_space<semaphore_mem>>
        %dma_start3A = arith.constant 0 : i32
        %dma_start3A_20 = tpu.memref_slice %arg3[%add3A, %mul3A_11, %dma_start3A] : memref<32x80x128xi32, #tpu.memory_space<hbm>> -> memref<1x40x128xi32, #tpu.memory_space<hbm>>
        %dma_start3A_21 = tpu.memref_squeeze %dma_start3A_20 : memref<1x40x128xi32, #tpu.memory_space<hbm>> -> memref<40x128xi32, #tpu.memory_space<hbm>>
        %dma_start3A_22 = arith.constant 0 : i32
        %dma_start3A_23 = tpu.memref_slice %arg3[%add3A, %mul3A_11, %dma_start3A_22] : memref<32x80x128xi32, #tpu.memory_space<hbm>> -> memref<1x40x128xi32, #tpu.memory_space<hbm>>
        %dma_start3A_24 = tpu.memref_squeeze %dma_start3A_23 : memref<1x40x128xi32, #tpu.memory_space<hbm>> -> memref<40x128xi32, #tpu.memory_space<hbm>>
        tpu.enqueue_dma source(%dma_start3A_24 : memref<40x128xi32, #tpu.memory_space<hbm>>) target(%arg8 : memref<40x128xi32, #tpu.memory_space<vmem>>) target_semaphore(%run_scoped3A : memref<!tpu.dma_semaphore, #tpu.memory_space<semaphore_mem>>)
        %dma_wait3A = arith.constant 0 : i32
        %dma_wait3A_25 = tpu.memref_slice %arg3[%add3A, %mul3A_11, %dma_wait3A] : memref<32x80x128xi32, #tpu.memory_space<hbm>> -> memref<1x40x128xi32, #tpu.memory_space<hbm>>
        %dma_wait3A_26 = tpu.memref_squeeze %dma_wait3A_25 : memref<1x40x128xi32, #tpu.memory_space<hbm>> -> memref<40x128xi32, #tpu.memory_space<hbm>>
        %dma_wait3A_27 = arith.constant 0 : i32
        %dma_wait3A_28 = tpu.memref_slice %arg3[%add3A, %mul3A_11, %dma_wait3A_27] : memref<32x80x128xi32, #tpu.memory_space<hbm>> -> memref<1x40x128xi32, #tpu.memory_space<hbm>>
        %dma_wait3A_29 = tpu.memref_squeeze %dma_wait3A_28 : memref<1x40x128xi32, #tpu.memory_space<hbm>> -> memref<40x128xi32, #tpu.memory_space<hbm>>
        tpu.wait_dma2 semaphore(%run_scoped3A : memref<!tpu.dma_semaphore, #tpu.memory_space<semaphore_mem>>) src(%dma_wait3A_29 : memref<40x128xi32, #tpu.memory_space<hbm>>) dst(%arg8 : memref<40x128xi32, #tpu.memory_space<vmem>>)
        tpu.yield
      }) : () -> ()
      %mul3A_12 = arith.constant 40 : i32
      %mul3A_13 = arith.muli %scan3A_9, %mul3A_12 : i32
      "tpu.region"() ({
        %run_scoped3A = tpu.sem_alloc : memref<!tpu.dma_semaphore, #tpu.memory_space<semaphore_mem>>
        %dma_start3A = arith.constant 0 : i32
        %dma_start3A_20 = tpu.memref_slice %arg4[%add3A, %mul3A_13, %dma_start3A] : memref<32x80x128xi32, #tpu.memory_space<hbm>> -> memref<1x40x128xi32, #tpu.memory_space<hbm>>
        %dma_start3A_21 = tpu.memref_squeeze %dma_start3A_20 : memref<1x40x128xi32, #tpu.memory_space<hbm>> -> memref<40x128xi32, #tpu.memory_space<hbm>>
        %dma_start3A_22 = arith.constant 0 : i32
        %dma_start3A_23 = tpu.memref_slice %arg4[%add3A, %mul3A_13, %dma_start3A_22] : memref<32x80x128xi32, #tpu.memory_space<hbm>> -> memref<1x40x128xi32, #tpu.memory_space<hbm>>
        %dma_start3A_24 = tpu.memref_squeeze %dma_start3A_23 : memref<1x40x128xi32, #tpu.memory_space<hbm>> -> memref<40x128xi32, #tpu.memory_space<hbm>>
        tpu.enqueue_dma source(%dma_start3A_24 : memref<40x128xi32, #tpu.memory_space<hbm>>) target(%arg9 : memref<40x128xi32, #tpu.memory_space<vmem>>) target_semaphore(%run_scoped3A : memref<!tpu.dma_semaphore, #tpu.memory_space<semaphore_mem>>)
        %dma_wait3A = arith.constant 0 : i32
        %dma_wait3A_25 = tpu.memref_slice %arg4[%add3A, %mul3A_13, %dma_wait3A] : memref<32x80x128xi32, #tpu.memory_space<hbm>> -> memref<1x40x128xi32, #tpu.memory_space<hbm>>
        %dma_wait3A_26 = tpu.memref_squeeze %dma_wait3A_25 : memref<1x40x128xi32, #tpu.memory_space<hbm>> -> memref<40x128xi32, #tpu.memory_space<hbm>>
        %dma_wait3A_27 = arith.constant 0 : i32
        %dma_wait3A_28 = tpu.memref_slice %arg4[%add3A, %mul3A_13, %dma_wait3A_27] : memref<32x80x128xi32, #tpu.memory_space<hbm>> -> memref<1x40x128xi32, #tpu.memory_space<hbm>>
        %dma_wait3A_29 = tpu.memref_squeeze %dma_wait3A_28 : memref<1x40x128xi32, #tpu.memory_space<hbm>> -> memref<40x128xi32, #tpu.memory_space<hbm>>
        tpu.wait_dma2 semaphore(%run_scoped3A : memref<!tpu.dma_semaphore, #tpu.memory_space<semaphore_mem>>) src(%dma_wait3A_29 : memref<40x128xi32, #tpu.memory_space<hbm>>) dst(%arg9 : memref<40x128xi32, #tpu.memory_space<vmem>>)
        tpu.yield
      }) : () -> ()
      %scan3A_14 = arith.constant 0 : i32
      %scan3A_15 = arith.constant 0 : i32
      %scan3A_16 = arith.constant 21 : i32
      %scan3A_17 = arith.addi %scan3A_15, %scan3A_16 : i32
      %scan3A_18 = arith.constant 1 : i32
      scf.for %scan3A_20 = %scan3A_15 to %scan3A_17 step %scan3A_18  : i32 {
        %mul3A_21 = arith.constant 2 : i32
        %mul3A_22 = arith.muli %scan3A_20, %mul3A_21 : i32
        %add3A_23 = arith.constant 0 : i32
        %add3A_24 = arith.addi %mul3A_22, %add3A_23 : i32
        %lt3A = arith.constant 40 : i32
        %lt3A_25 = arith.cmpi slt, %add3A_24, %lt3A : i32
        %convert_element_type3A = arith.extui %lt3A_25 : i1 to i32
        %cond3A = arith.constant 0 : i32
        %cond3A_26 = arith.cmpi ne, %convert_element_type3A, %cond3A : i32
        scf.if %cond3A_26 {
          %dma_start3A = arith.constant 0 : i32
          %dma_start3A_49 = tpu.memref_slice %arg8[%add3A_24, %dma_start3A] : memref<40x128xi32, #tpu.memory_space<vmem>> -> memref<1x128xi32, #tpu.memory_space<vmem>>
          %dma_start3A_50 = tpu.memref_squeeze %dma_start3A_49 : memref<1x128xi32, #tpu.memory_space<vmem>> -> memref<128xi32, #tpu.memory_space<vmem>>
          %dma_start3A_51 = arith.constant 0 : i32
          %dma_start3A_52 = arith.constant 0 : i32
          %dma_start3A_53 = tpu.memref_slice %arg2[%dma_start3A_51, %dma_start3A_52] : memref<10000x128xf32, #tpu.memory_space<hbm>> -> memref<10000x128xf32, #tpu.memory_space<hbm>>
          tpu.enqueue_indirect_dma source(%dma_start3A_53 : memref<10000x128xf32, #tpu.memory_space<hbm>>) target(%arg10 : memref<128x128xf32, #tpu.memory_space<vmem>>) offsets(%dma_start3A_50 : memref<128xi32, #tpu.memory_space<vmem>>) semaphore(%arg12 : memref<!tpu.dma_semaphore, #tpu.memory_space<semaphore_mem>>)
        } else {
        }
        %ge3A = arith.constant 1 : i32
        %ge3A_27 = arith.cmpi sge, %add3A_24, %ge3A : i32
        %le3A = arith.constant 40 : i32
        %le3A_28 = arith.cmpi sle, %add3A_24, %le3A : i32
        %and3A = arith.andi %ge3A_27, %le3A_28 : i1
        %convert_element_type3A_29 = arith.extui %and3A : i1 to i32
        %cond3A_30 = arith.constant 0 : i32
        %cond3A_31 = arith.cmpi ne, %convert_element_type3A_29, %cond3A_30 : i32
        scf.if %cond3A_31 {
          %sub3A = arith.constant 1 : i32
          %sub3A_49 = arith.subi %add3A_24, %sub3A : i32
          %dma_wait3A = arith.constant 0 : i32
          %dma_wait3A_50 = tpu.memref_slice %arg8[%sub3A_49, %dma_wait3A] : memref<40x128xi32, #tpu.memory_space<vmem>> -> memref<1x128xi32, #tpu.memory_space<vmem>>
          %dma_wait3A_51 = tpu.memref_squeeze %dma_wait3A_50 : memref<1x128xi32, #tpu.memory_space<vmem>> -> memref<128xi32, #tpu.memory_space<vmem>>
          %dma_wait3A_52 = arith.constant 0 : i32
          %dma_wait3A_53 = arith.constant 0 : i32
          %dma_wait3A_54 = tpu.memref_slice %arg2[%dma_wait3A_52, %dma_wait3A_53] : memref<10000x128xf32, #tpu.memory_space<hbm>> -> memref<10000x128xf32, #tpu.memory_space<hbm>>
          tpu.wait_indirect_dma semaphore(%arg13 : memref<!tpu.dma_semaphore, #tpu.memory_space<semaphore_mem>>) src(%dma_wait3A_54 : memref<10000x128xf32, #tpu.memory_space<hbm>>) dst(%arg11 : memref<128x128xf32, #tpu.memory_space<vmem>>)
          %sub3A_55 = arith.constant 1 : i32
          %sub3A_56 = arith.subi %add3A_24, %sub3A_55 : i32
          "tpu.region"() ({
            %run_scoped3A = tpu.sem_alloc : memref<!tpu.dma_semaphore, #tpu.memory_space<semaphore_mem>>
            %dma_start3A = arith.constant 0 : i32
            %dma_start3A_57 = tpu.memref_slice %arg9[%sub3A_56, %dma_start3A] : memref<40x128xi32, #tpu.memory_space<vmem>> -> memref<1x128xi32, #tpu.memory_space<vmem>>
            %dma_start3A_58 = tpu.memref_squeeze %dma_start3A_57 : memref<1x128xi32, #tpu.memory_space<vmem>> -> memref<128xi32, #tpu.memory_space<vmem>>
            %dma_start3A_59 = arith.constant 0 : i32
            %dma_start3A_60 = arith.constant 0 : i32
            %dma_start3A_61 = tpu.memref_slice %arg7[%dma_start3A_59, %dma_start3A_60] : memref<10112x128xf32, #tpu.memory_space<vmem_shared>> -> memref<10112x128xf32, #tpu.memory_space<vmem_shared>>
            tpu.enqueue_indirect_dma source(%arg11 : memref<128x128xf32, #tpu.memory_space<vmem>>) target(%dma_start3A_61 : memref<10112x128xf32, #tpu.memory_space<vmem_shared>>) offsets(%dma_start3A_58 : memref<128xi32, #tpu.memory_space<vmem>>) semaphore(%run_scoped3A : memref<!tpu.dma_semaphore, #tpu.memory_space<semaphore_mem>>) {add = true}
            %dma_wait3A_62 = arith.constant 0 : i32
            %dma_wait3A_63 = tpu.memref_slice %arg9[%sub3A_56, %dma_wait3A_62] : memref<40x128xi32, #tpu.memory_space<vmem>> -> memref<1x128xi32, #tpu.memory_space<vmem>>
            %dma_wait3A_64 = tpu.memref_squeeze %dma_wait3A_63 : memref<1x128xi32, #tpu.memory_space<vmem>> -> memref<128xi32, #tpu.memory_space<vmem>>
            %dma_wait3A_65 = arith.constant 0 : i32
            %dma_wait3A_66 = arith.constant 0 : i32
            %dma_wait3A_67 = tpu.memref_slice %arg7[%dma_wait3A_65, %dma_wait3A_66] : memref<10112x128xf32, #tpu.memory_space<vmem_shared>> -> memref<10112x128xf32, #tpu.memory_space<vmem_shared>>
            tpu.wait_indirect_dma semaphore(%run_scoped3A : memref<!tpu.dma_semaphore, #tpu.memory_space<semaphore_mem>>) src(%arg11 : memref<128x128xf32, #tpu.memory_space<vmem>>) dst(%dma_wait3A_67 : memref<10112x128xf32, #tpu.memory_space<vmem_shared>>)
            tpu.yield
          }) : () -> ()
        } else {
        }
        %mul3A_32 = arith.constant 2 : i32
        %mul3A_33 = arith.muli %scan3A_20, %mul3A_32 : i32
        %add3A_34 = arith.constant 1 : i32
        %add3A_35 = arith.addi %mul3A_33, %add3A_34 : i32
        %lt3A_36 = arith.constant 40 : i32
        %lt3A_37 = arith.cmpi slt, %add3A_35, %lt3A_36 : i32
        %convert_element_type3A_38 = arith.extui %lt3A_37 : i1 to i32
        %cond3A_39 = arith.constant 0 : i32
        %cond3A_40 = arith.cmpi ne, %convert_element_type3A_38, %cond3A_39 : i32
        scf.if %cond3A_40 {
          %dma_start3A = arith.constant 0 : i32
          %dma_start3A_49 = tpu.memref_slice %arg8[%add3A_35, %dma_start3A] : memref<40x128xi32, #tpu.memory_space<vmem>> -> memref<1x128xi32, #tpu.memory_space<vmem>>
          %dma_start3A_50 = tpu.memref_squeeze %dma_start3A_49 : memref<1x128xi32, #tpu.memory_space<vmem>> -> memref<128xi32, #tpu.memory_space<vmem>>
          %dma_start3A_51 = arith.constant 0 : i32
          %dma_start3A_52 = arith.constant 0 : i32
          %dma_start3A_53 = tpu.memref_slice %arg2[%dma_start3A_51, %dma_start3A_52] : memref<10000x128xf32, #tpu.memory_space<hbm>> -> memref<10000x128xf32, #tpu.memory_space<hbm>>
          tpu.enqueue_indirect_dma source(%dma_start3A_53 : memref<10000x128xf32, #tpu.memory_space<hbm>>) target(%arg11 : memref<128x128xf32, #tpu.memory_space<vmem>>) offsets(%dma_start3A_50 : memref<128xi32, #tpu.memory_space<vmem>>) semaphore(%arg13 : memref<!tpu.dma_semaphore, #tpu.memory_space<semaphore_mem>>)
        } else {
        }
        %ge3A_41 = arith.constant 1 : i32
        %ge3A_42 = arith.cmpi sge, %add3A_35, %ge3A_41 : i32
        %le3A_43 = arith.constant 40 : i32
        %le3A_44 = arith.cmpi sle, %add3A_35, %le3A_43 : i32
        %and3A_45 = arith.andi %ge3A_42, %le3A_44 : i1
        %convert_element_type3A_46 = arith.extui %and3A_45 : i1 to i32
        %cond3A_47 = arith.constant 0 : i32
        %cond3A_48 = arith.cmpi ne, %convert_element_type3A_46, %cond3A_47 : i32
        scf.if %cond3A_48 {
          %sub3A = arith.constant 1 : i32
          %sub3A_49 = arith.subi %add3A_35, %sub3A : i32
          %dma_wait3A = arith.constant 0 : i32
          %dma_wait3A_50 = tpu.memref_slice %arg8[%sub3A_49, %dma_wait3A] : memref<40x128xi32, #tpu.memory_space<vmem>> -> memref<1x128xi32, #tpu.memory_space<vmem>>
          %dma_wait3A_51 = tpu.memref_squeeze %dma_wait3A_50 : memref<1x128xi32, #tpu.memory_space<vmem>> -> memref<128xi32, #tpu.memory_space<vmem>>
          %dma_wait3A_52 = arith.constant 0 : i32
          %dma_wait3A_53 = arith.constant 0 : i32
          %dma_wait3A_54 = tpu.memref_slice %arg2[%dma_wait3A_52, %dma_wait3A_53] : memref<10000x128xf32, #tpu.memory_space<hbm>> -> memref<10000x128xf32, #tpu.memory_space<hbm>>
          tpu.wait_indirect_dma semaphore(%arg12 : memref<!tpu.dma_semaphore, #tpu.memory_space<semaphore_mem>>) src(%dma_wait3A_54 : memref<10000x128xf32, #tpu.memory_space<hbm>>) dst(%arg10 : memref<128x128xf32, #tpu.memory_space<vmem>>)
          %sub3A_55 = arith.constant 1 : i32
          %sub3A_56 = arith.subi %add3A_35, %sub3A_55 : i32
          "tpu.region"() ({
            %run_scoped3A = tpu.sem_alloc : memref<!tpu.dma_semaphore, #tpu.memory_space<semaphore_mem>>
            %dma_start3A = arith.constant 0 : i32
            %dma_start3A_57 = tpu.memref_slice %arg9[%sub3A_56, %dma_start3A] : memref<40x128xi32, #tpu.memory_space<vmem>> -> memref<1x128xi32, #tpu.memory_space<vmem>>
            %dma_start3A_58 = tpu.memref_squeeze %dma_start3A_57 : memref<1x128xi32, #tpu.memory_space<vmem>> -> memref<128xi32, #tpu.memory_space<vmem>>
            %dma_start3A_59 = arith.constant 0 : i32
            %dma_start3A_60 = arith.constant 0 : i32
            %dma_start3A_61 = tpu.memref_slice %arg7[%dma_start3A_59, %dma_start3A_60] : memref<10112x128xf32, #tpu.memory_space<vmem_shared>> -> memref<10112x128xf32, #tpu.memory_space<vmem_shared>>
            tpu.enqueue_indirect_dma source(%arg10 : memref<128x128xf32, #tpu.memory_space<vmem>>) target(%dma_start3A_61 : memref<10112x128xf32, #tpu.memory_space<vmem_shared>>) offsets(%dma_start3A_58 : memref<128xi32, #tpu.memory_space<vmem>>) semaphore(%run_scoped3A : memref<!tpu.dma_semaphore, #tpu.memory_space<semaphore_mem>>) {add = true}
            %dma_wait3A_62 = arith.constant 0 : i32
            %dma_wait3A_63 = tpu.memref_slice %arg9[%sub3A_56, %dma_wait3A_62] : memref<40x128xi32, #tpu.memory_space<vmem>> -> memref<1x128xi32, #tpu.memory_space<vmem>>
            %dma_wait3A_64 = tpu.memref_squeeze %dma_wait3A_63 : memref<1x128xi32, #tpu.memory_space<vmem>> -> memref<128xi32, #tpu.memory_space<vmem>>
            %dma_wait3A_65 = arith.constant 0 : i32
            %dma_wait3A_66 = arith.constant 0 : i32
            %dma_wait3A_67 = tpu.memref_slice %arg7[%dma_wait3A_65, %dma_wait3A_66] : memref<10112x128xf32, #tpu.memory_space<vmem_shared>> -> memref<10112x128xf32, #tpu.memory_space<vmem_shared>>
            tpu.wait_indirect_dma semaphore(%run_scoped3A : memref<!tpu.dma_semaphore, #tpu.memory_space<semaphore_mem>>) src(%arg10 : memref<128x128xf32, #tpu.memory_space<vmem>>) dst(%dma_wait3A_67 : memref<10112x128xf32, #tpu.memory_space<vmem_shared>>)
            tpu.yield
          }) : () -> ()
        } else {
        }
      }
      %scan3A_19 = arith.constant 21 : i32
    }
    %scan3A_7 = arith.constant 2 : i32
    %barrier3A_8 = arith.constant 0 : index
    tpu.barrier barrier_id(%barrier3A_8)
    "tpu.region"() ({
      %run_scoped3A = tpu.sem_alloc : memref<!tpu.dma_semaphore, #tpu.memory_space<semaphore_mem>>
      %dma_start3A = arith.constant 0 : i32
      %dma_start3A_9 = tpu.memref_slice %arg6[%arg0, %mul3A_2, %dma_start3A] : memref<2x10112x128xf32, #tpu.memory_space<hbm>> -> memref<1x632x128xf32, #tpu.memory_space<hbm>>
      %dma_start3A_10 = tpu.memref_squeeze %dma_start3A_9 : memref<1x632x128xf32, #tpu.memory_space<hbm>> -> memref<632x128xf32, #tpu.memory_space<hbm>>
      %dma_start3A_11 = arith.constant 0 : i32
      %dma_start3A_12 = tpu.memref_slice %arg7[%mul3A_2, %dma_start3A_11] : memref<10112x128xf32, #tpu.memory_space<vmem_shared>> -> memref<632x128xf32, #tpu.memory_space<vmem_shared>>
      tpu.enqueue_dma source(%dma_start3A_12 : memref<632x128xf32, #tpu.memory_space<vmem_shared>>) target(%dma_start3A_10 : memref<632x128xf32, #tpu.memory_space<hbm>>) target_semaphore(%run_scoped3A : memref<!tpu.dma_semaphore, #tpu.memory_space<semaphore_mem>>)
      %dma_wait3A = arith.constant 0 : i32
      %dma_wait3A_13 = tpu.memref_slice %arg6[%arg0, %mul3A_2, %dma_wait3A] : memref<2x10112x128xf32, #tpu.memory_space<hbm>> -> memref<1x632x128xf32, #tpu.memory_space<hbm>>
      %dma_wait3A_14 = tpu.memref_squeeze %dma_wait3A_13 : memref<1x632x128xf32, #tpu.memory_space<hbm>> -> memref<632x128xf32, #tpu.memory_space<hbm>>
      %dma_wait3A_15 = arith.constant 0 : i32
      %dma_wait3A_16 = tpu.memref_slice %arg7[%mul3A_2, %dma_wait3A_15] : memref<10112x128xf32, #tpu.memory_space<vmem_shared>> -> memref<632x128xf32, #tpu.memory_space<vmem_shared>>
      tpu.wait_dma2 semaphore(%run_scoped3A : memref<!tpu.dma_semaphore, #tpu.memory_space<semaphore_mem>>) src(%dma_wait3A_16 : memref<632x128xf32, #tpu.memory_space<vmem_shared>>) dst(%dma_wait3A_14 : memref<632x128xf32, #tpu.memory_space<hbm>>)
      tpu.yield
    }) : () -> ()
    return
  }
}

#map = affine_map<(d0, d1) -> (0, 0)>
#map1 = affine_map<(d0, d1) -> (0, 0, 0)>
module attributes {stable_mosaic.version = 14 : i64} {
  func.func @_agg(%arg0: i32, %arg1: i32, %arg2: memref<10112x128xf32, #tpu.memory_space<hbm>>, %arg3: memref<32x80x128xi32, #tpu.memory_space<hbm>>, %arg4: memref<32x80x128xi32, #tpu.memory_space<hbm>>, %arg5: memref<632x128xf32, #tpu.memory_space<hbm>>, %arg6: memref<2x10112x128xf32, #tpu.memory_space<hbm>>, %arg7: memref<10112x128xf32, #tpu.memory_space<vmem_shared>>, %arg8: memref<40x128xi32, #tpu.memory_space<vmem>>, %arg9: memref<40x128xi32, #tpu.memory_space<vmem>>, %arg10: memref<128x128xf32, #tpu.memory_space<vmem>>, %arg11: memref<128x128xf32, #tpu.memory_space<vmem>>, %arg12: memref<!tpu.dma_semaphore, #tpu.memory_space<semaphore_mem>>, %arg13: memref<!tpu.dma_semaphore, #tpu.memory_space<semaphore_mem>>) attributes {dimension_semantics = [#tpu.dimension_semantics<core_parallel>, #tpu.dimension_semantics<subcore_parallel>], iteration_bounds = array<i64: 2, 16>, scalar_prefetch = 0 : i64, scratch_operands = 7 : i64, tpu.core_type = #tpu.core_type<sc_vector_subcore>, window_params = [{transform_indices = #map}, {transform_indices = #map1}, {transform_indices = #map1}, {transform_indices = #map}, {transform_indices = #map1}]} {
    %mul3A = arith.constant 16 : i32
    %mul3A_0 = arith.muli %arg0, %mul3A : i32
    %add3A = arith.addi %mul3A_0, %arg1 : i32
    %mul3A_1 = arith.constant 632 : i32
    %mul3A_2 = arith.muli %arg1, %mul3A_1 : i32
    "tpu.region"() ({
      %run_scoped3A = tpu.sem_alloc : memref<!tpu.dma_semaphore, #tpu.memory_space<semaphore_mem>>
      %dma_start3A = arith.constant 0 : i32
      %dma_start3A_9 = tpu.memref_slice %arg7[%mul3A_2, %dma_start3A] : memref<10112x128xf32, #tpu.memory_space<vmem_shared>> -> memref<632x128xf32, #tpu.memory_space<vmem_shared>>
      tpu.enqueue_dma source(%arg5 : memref<632x128xf32, #tpu.memory_space<hbm>>) target(%dma_start3A_9 : memref<632x128xf32, #tpu.memory_space<vmem_shared>>) target_semaphore(%run_scoped3A : memref<!tpu.dma_semaphore, #tpu.memory_space<semaphore_mem>>)
      %dma_wait3A = arith.constant 0 : i32
      %dma_wait3A_10 = tpu.memref_slice %arg7[%mul3A_2, %dma_wait3A] : memref<10112x128xf32, #tpu.memory_space<vmem_shared>> -> memref<632x128xf32, #tpu.memory_space<vmem_shared>>
      tpu.wait_dma2 semaphore(%run_scoped3A : memref<!tpu.dma_semaphore, #tpu.memory_space<semaphore_mem>>) src(%arg5 : memref<632x128xf32, #tpu.memory_space<hbm>>) dst(%dma_wait3A_10 : memref<632x128xf32, #tpu.memory_space<vmem_shared>>)
      tpu.yield
    }) : () -> ()
    %barrier3A = arith.constant 0 : index
    tpu.barrier barrier_id(%barrier3A)
    %scan3A = arith.constant 0 : i32
    %scan3A_3 = arith.constant 0 : i32
    %scan3A_4 = arith.constant 2 : i32
    %scan3A_5 = arith.addi %scan3A_3, %scan3A_4 : i32
    %scan3A_6 = arith.constant 1 : i32
    scf.for %scan3A_9 = %scan3A_3 to %scan3A_5 step %scan3A_6  : i32 {
      %mul3A_10 = arith.constant 40 : i32
      %mul3A_11 = arith.muli %scan3A_9, %mul3A_10 : i32
      "tpu.region"() ({
        %run_scoped3A = tpu.sem_alloc : memref<!tpu.dma_semaphore, #tpu.memory_space<semaphore_mem>>
        %dma_start3A = arith.constant 0 : i32
        %dma_start3A_20 = tpu.memref_slice %arg3[%add3A, %mul3A_11, %dma_start3A] : memref<32x80x128xi32, #tpu.memory_space<hbm>> -> memref<1x40x128xi32, #tpu.memory_space<hbm>>
        %dma_start3A_21 = tpu.memref_squeeze %dma_start3A_20 : memref<1x40x128xi32, #tpu.memory_space<hbm>> -> memref<40x128xi32, #tpu.memory_space<hbm>>
        %dma_start3A_22 = arith.constant 0 : i32
        %dma_start3A_23 = tpu.memref_slice %arg3[%add3A, %mul3A_11, %dma_start3A_22] : memref<32x80x128xi32, #tpu.memory_space<hbm>> -> memref<1x40x128xi32, #tpu.memory_space<hbm>>
        %dma_start3A_24 = tpu.memref_squeeze %dma_start3A_23 : memref<1x40x128xi32, #tpu.memory_space<hbm>> -> memref<40x128xi32, #tpu.memory_space<hbm>>
        tpu.enqueue_dma source(%dma_start3A_24 : memref<40x128xi32, #tpu.memory_space<hbm>>) target(%arg8 : memref<40x128xi32, #tpu.memory_space<vmem>>) target_semaphore(%run_scoped3A : memref<!tpu.dma_semaphore, #tpu.memory_space<semaphore_mem>>)
        %dma_wait3A = arith.constant 0 : i32
        %dma_wait3A_25 = tpu.memref_slice %arg3[%add3A, %mul3A_11, %dma_wait3A] : memref<32x80x128xi32, #tpu.memory_space<hbm>> -> memref<1x40x128xi32, #tpu.memory_space<hbm>>
        %dma_wait3A_26 = tpu.memref_squeeze %dma_wait3A_25 : memref<1x40x128xi32, #tpu.memory_space<hbm>> -> memref<40x128xi32, #tpu.memory_space<hbm>>
        %dma_wait3A_27 = arith.constant 0 : i32
        %dma_wait3A_28 = tpu.memref_slice %arg3[%add3A, %mul3A_11, %dma_wait3A_27] : memref<32x80x128xi32, #tpu.memory_space<hbm>> -> memref<1x40x128xi32, #tpu.memory_space<hbm>>
        %dma_wait3A_29 = tpu.memref_squeeze %dma_wait3A_28 : memref<1x40x128xi32, #tpu.memory_space<hbm>> -> memref<40x128xi32, #tpu.memory_space<hbm>>
        tpu.wait_dma2 semaphore(%run_scoped3A : memref<!tpu.dma_semaphore, #tpu.memory_space<semaphore_mem>>) src(%dma_wait3A_29 : memref<40x128xi32, #tpu.memory_space<hbm>>) dst(%arg8 : memref<40x128xi32, #tpu.memory_space<vmem>>)
        tpu.yield
      }) : () -> ()
      %mul3A_12 = arith.constant 40 : i32
      %mul3A_13 = arith.muli %scan3A_9, %mul3A_12 : i32
      "tpu.region"() ({
        %run_scoped3A = tpu.sem_alloc : memref<!tpu.dma_semaphore, #tpu.memory_space<semaphore_mem>>
        %dma_start3A = arith.constant 0 : i32
        %dma_start3A_20 = tpu.memref_slice %arg4[%add3A, %mul3A_13, %dma_start3A] : memref<32x80x128xi32, #tpu.memory_space<hbm>> -> memref<1x40x128xi32, #tpu.memory_space<hbm>>
        %dma_start3A_21 = tpu.memref_squeeze %dma_start3A_20 : memref<1x40x128xi32, #tpu.memory_space<hbm>> -> memref<40x128xi32, #tpu.memory_space<hbm>>
        %dma_start3A_22 = arith.constant 0 : i32
        %dma_start3A_23 = tpu.memref_slice %arg4[%add3A, %mul3A_13, %dma_start3A_22] : memref<32x80x128xi32, #tpu.memory_space<hbm>> -> memref<1x40x128xi32, #tpu.memory_space<hbm>>
        %dma_start3A_24 = tpu.memref_squeeze %dma_start3A_23 : memref<1x40x128xi32, #tpu.memory_space<hbm>> -> memref<40x128xi32, #tpu.memory_space<hbm>>
        tpu.enqueue_dma source(%dma_start3A_24 : memref<40x128xi32, #tpu.memory_space<hbm>>) target(%arg9 : memref<40x128xi32, #tpu.memory_space<vmem>>) target_semaphore(%run_scoped3A : memref<!tpu.dma_semaphore, #tpu.memory_space<semaphore_mem>>)
        %dma_wait3A = arith.constant 0 : i32
        %dma_wait3A_25 = tpu.memref_slice %arg4[%add3A, %mul3A_13, %dma_wait3A] : memref<32x80x128xi32, #tpu.memory_space<hbm>> -> memref<1x40x128xi32, #tpu.memory_space<hbm>>
        %dma_wait3A_26 = tpu.memref_squeeze %dma_wait3A_25 : memref<1x40x128xi32, #tpu.memory_space<hbm>> -> memref<40x128xi32, #tpu.memory_space<hbm>>
        %dma_wait3A_27 = arith.constant 0 : i32
        %dma_wait3A_28 = tpu.memref_slice %arg4[%add3A, %mul3A_13, %dma_wait3A_27] : memref<32x80x128xi32, #tpu.memory_space<hbm>> -> memref<1x40x128xi32, #tpu.memory_space<hbm>>
        %dma_wait3A_29 = tpu.memref_squeeze %dma_wait3A_28 : memref<1x40x128xi32, #tpu.memory_space<hbm>> -> memref<40x128xi32, #tpu.memory_space<hbm>>
        tpu.wait_dma2 semaphore(%run_scoped3A : memref<!tpu.dma_semaphore, #tpu.memory_space<semaphore_mem>>) src(%dma_wait3A_29 : memref<40x128xi32, #tpu.memory_space<hbm>>) dst(%arg9 : memref<40x128xi32, #tpu.memory_space<vmem>>)
        tpu.yield
      }) : () -> ()
      %scan3A_14 = arith.constant 0 : i32
      %scan3A_15 = arith.constant 0 : i32
      %scan3A_16 = arith.constant 21 : i32
      %scan3A_17 = arith.addi %scan3A_15, %scan3A_16 : i32
      %scan3A_18 = arith.constant 1 : i32
      scf.for %scan3A_20 = %scan3A_15 to %scan3A_17 step %scan3A_18  : i32 {
        %mul3A_21 = arith.constant 2 : i32
        %mul3A_22 = arith.muli %scan3A_20, %mul3A_21 : i32
        %add3A_23 = arith.constant 0 : i32
        %add3A_24 = arith.addi %mul3A_22, %add3A_23 : i32
        %lt3A = arith.constant 40 : i32
        %lt3A_25 = arith.cmpi slt, %add3A_24, %lt3A : i32
        %convert_element_type3A = arith.extui %lt3A_25 : i1 to i32
        %cond3A = arith.constant 0 : i32
        %cond3A_26 = arith.cmpi ne, %convert_element_type3A, %cond3A : i32
        scf.if %cond3A_26 {
          %dma_start3A = arith.constant 0 : i32
          %dma_start3A_49 = tpu.memref_slice %arg8[%add3A_24, %dma_start3A] : memref<40x128xi32, #tpu.memory_space<vmem>> -> memref<1x128xi32, #tpu.memory_space<vmem>>
          %dma_start3A_50 = tpu.memref_squeeze %dma_start3A_49 : memref<1x128xi32, #tpu.memory_space<vmem>> -> memref<128xi32, #tpu.memory_space<vmem>>
          %dma_start3A_51 = arith.constant 0 : i32
          %dma_start3A_52 = arith.constant 0 : i32
          %dma_start3A_53 = tpu.memref_slice %arg2[%dma_start3A_51, %dma_start3A_52] : memref<10112x128xf32, #tpu.memory_space<hbm>> -> memref<10112x128xf32, #tpu.memory_space<hbm>>
          tpu.enqueue_indirect_dma source(%dma_start3A_53 : memref<10112x128xf32, #tpu.memory_space<hbm>>) target(%arg10 : memref<128x128xf32, #tpu.memory_space<vmem>>) offsets(%dma_start3A_50 : memref<128xi32, #tpu.memory_space<vmem>>) semaphore(%arg12 : memref<!tpu.dma_semaphore, #tpu.memory_space<semaphore_mem>>)
        } else {
        }
        %ge3A = arith.constant 1 : i32
        %ge3A_27 = arith.cmpi sge, %add3A_24, %ge3A : i32
        %le3A = arith.constant 40 : i32
        %le3A_28 = arith.cmpi sle, %add3A_24, %le3A : i32
        %and3A = arith.andi %ge3A_27, %le3A_28 : i1
        %convert_element_type3A_29 = arith.extui %and3A : i1 to i32
        %cond3A_30 = arith.constant 0 : i32
        %cond3A_31 = arith.cmpi ne, %convert_element_type3A_29, %cond3A_30 : i32
        scf.if %cond3A_31 {
          %sub3A = arith.constant 1 : i32
          %sub3A_49 = arith.subi %add3A_24, %sub3A : i32
          %dma_wait3A = arith.constant 0 : i32
          %dma_wait3A_50 = tpu.memref_slice %arg8[%sub3A_49, %dma_wait3A] : memref<40x128xi32, #tpu.memory_space<vmem>> -> memref<1x128xi32, #tpu.memory_space<vmem>>
          %dma_wait3A_51 = tpu.memref_squeeze %dma_wait3A_50 : memref<1x128xi32, #tpu.memory_space<vmem>> -> memref<128xi32, #tpu.memory_space<vmem>>
          %dma_wait3A_52 = arith.constant 0 : i32
          %dma_wait3A_53 = arith.constant 0 : i32
          %dma_wait3A_54 = tpu.memref_slice %arg2[%dma_wait3A_52, %dma_wait3A_53] : memref<10112x128xf32, #tpu.memory_space<hbm>> -> memref<10112x128xf32, #tpu.memory_space<hbm>>
          tpu.wait_indirect_dma semaphore(%arg13 : memref<!tpu.dma_semaphore, #tpu.memory_space<semaphore_mem>>) src(%dma_wait3A_54 : memref<10112x128xf32, #tpu.memory_space<hbm>>) dst(%arg11 : memref<128x128xf32, #tpu.memory_space<vmem>>)
          %sub3A_55 = arith.constant 1 : i32
          %sub3A_56 = arith.subi %add3A_24, %sub3A_55 : i32
          "tpu.region"() ({
            %run_scoped3A = tpu.sem_alloc : memref<!tpu.dma_semaphore, #tpu.memory_space<semaphore_mem>>
            %dma_start3A = arith.constant 0 : i32
            %dma_start3A_57 = tpu.memref_slice %arg9[%sub3A_56, %dma_start3A] : memref<40x128xi32, #tpu.memory_space<vmem>> -> memref<1x128xi32, #tpu.memory_space<vmem>>
            %dma_start3A_58 = tpu.memref_squeeze %dma_start3A_57 : memref<1x128xi32, #tpu.memory_space<vmem>> -> memref<128xi32, #tpu.memory_space<vmem>>
            %dma_start3A_59 = arith.constant 0 : i32
            %dma_start3A_60 = arith.constant 0 : i32
            %dma_start3A_61 = tpu.memref_slice %arg7[%dma_start3A_59, %dma_start3A_60] : memref<10112x128xf32, #tpu.memory_space<vmem_shared>> -> memref<10112x128xf32, #tpu.memory_space<vmem_shared>>
            tpu.enqueue_indirect_dma source(%arg11 : memref<128x128xf32, #tpu.memory_space<vmem>>) target(%dma_start3A_61 : memref<10112x128xf32, #tpu.memory_space<vmem_shared>>) offsets(%dma_start3A_58 : memref<128xi32, #tpu.memory_space<vmem>>) semaphore(%run_scoped3A : memref<!tpu.dma_semaphore, #tpu.memory_space<semaphore_mem>>) {add = true}
            %dma_wait3A_62 = arith.constant 0 : i32
            %dma_wait3A_63 = tpu.memref_slice %arg9[%sub3A_56, %dma_wait3A_62] : memref<40x128xi32, #tpu.memory_space<vmem>> -> memref<1x128xi32, #tpu.memory_space<vmem>>
            %dma_wait3A_64 = tpu.memref_squeeze %dma_wait3A_63 : memref<1x128xi32, #tpu.memory_space<vmem>> -> memref<128xi32, #tpu.memory_space<vmem>>
            %dma_wait3A_65 = arith.constant 0 : i32
            %dma_wait3A_66 = arith.constant 0 : i32
            %dma_wait3A_67 = tpu.memref_slice %arg7[%dma_wait3A_65, %dma_wait3A_66] : memref<10112x128xf32, #tpu.memory_space<vmem_shared>> -> memref<10112x128xf32, #tpu.memory_space<vmem_shared>>
            tpu.wait_indirect_dma semaphore(%run_scoped3A : memref<!tpu.dma_semaphore, #tpu.memory_space<semaphore_mem>>) src(%arg11 : memref<128x128xf32, #tpu.memory_space<vmem>>) dst(%dma_wait3A_67 : memref<10112x128xf32, #tpu.memory_space<vmem_shared>>)
            tpu.yield
          }) : () -> ()
        } else {
        }
        %mul3A_32 = arith.constant 2 : i32
        %mul3A_33 = arith.muli %scan3A_20, %mul3A_32 : i32
        %add3A_34 = arith.constant 1 : i32
        %add3A_35 = arith.addi %mul3A_33, %add3A_34 : i32
        %lt3A_36 = arith.constant 40 : i32
        %lt3A_37 = arith.cmpi slt, %add3A_35, %lt3A_36 : i32
        %convert_element_type3A_38 = arith.extui %lt3A_37 : i1 to i32
        %cond3A_39 = arith.constant 0 : i32
        %cond3A_40 = arith.cmpi ne, %convert_element_type3A_38, %cond3A_39 : i32
        scf.if %cond3A_40 {
          %dma_start3A = arith.constant 0 : i32
          %dma_start3A_49 = tpu.memref_slice %arg8[%add3A_35, %dma_start3A] : memref<40x128xi32, #tpu.memory_space<vmem>> -> memref<1x128xi32, #tpu.memory_space<vmem>>
          %dma_start3A_50 = tpu.memref_squeeze %dma_start3A_49 : memref<1x128xi32, #tpu.memory_space<vmem>> -> memref<128xi32, #tpu.memory_space<vmem>>
          %dma_start3A_51 = arith.constant 0 : i32
          %dma_start3A_52 = arith.constant 0 : i32
          %dma_start3A_53 = tpu.memref_slice %arg2[%dma_start3A_51, %dma_start3A_52] : memref<10112x128xf32, #tpu.memory_space<hbm>> -> memref<10112x128xf32, #tpu.memory_space<hbm>>
          tpu.enqueue_indirect_dma source(%dma_start3A_53 : memref<10112x128xf32, #tpu.memory_space<hbm>>) target(%arg11 : memref<128x128xf32, #tpu.memory_space<vmem>>) offsets(%dma_start3A_50 : memref<128xi32, #tpu.memory_space<vmem>>) semaphore(%arg13 : memref<!tpu.dma_semaphore, #tpu.memory_space<semaphore_mem>>)
        } else {
        }
        %ge3A_41 = arith.constant 1 : i32
        %ge3A_42 = arith.cmpi sge, %add3A_35, %ge3A_41 : i32
        %le3A_43 = arith.constant 40 : i32
        %le3A_44 = arith.cmpi sle, %add3A_35, %le3A_43 : i32
        %and3A_45 = arith.andi %ge3A_42, %le3A_44 : i1
        %convert_element_type3A_46 = arith.extui %and3A_45 : i1 to i32
        %cond3A_47 = arith.constant 0 : i32
        %cond3A_48 = arith.cmpi ne, %convert_element_type3A_46, %cond3A_47 : i32
        scf.if %cond3A_48 {
          %sub3A = arith.constant 1 : i32
          %sub3A_49 = arith.subi %add3A_35, %sub3A : i32
          %dma_wait3A = arith.constant 0 : i32
          %dma_wait3A_50 = tpu.memref_slice %arg8[%sub3A_49, %dma_wait3A] : memref<40x128xi32, #tpu.memory_space<vmem>> -> memref<1x128xi32, #tpu.memory_space<vmem>>
          %dma_wait3A_51 = tpu.memref_squeeze %dma_wait3A_50 : memref<1x128xi32, #tpu.memory_space<vmem>> -> memref<128xi32, #tpu.memory_space<vmem>>
          %dma_wait3A_52 = arith.constant 0 : i32
          %dma_wait3A_53 = arith.constant 0 : i32
          %dma_wait3A_54 = tpu.memref_slice %arg2[%dma_wait3A_52, %dma_wait3A_53] : memref<10112x128xf32, #tpu.memory_space<hbm>> -> memref<10112x128xf32, #tpu.memory_space<hbm>>
          tpu.wait_indirect_dma semaphore(%arg12 : memref<!tpu.dma_semaphore, #tpu.memory_space<semaphore_mem>>) src(%dma_wait3A_54 : memref<10112x128xf32, #tpu.memory_space<hbm>>) dst(%arg10 : memref<128x128xf32, #tpu.memory_space<vmem>>)
          %sub3A_55 = arith.constant 1 : i32
          %sub3A_56 = arith.subi %add3A_35, %sub3A_55 : i32
          "tpu.region"() ({
            %run_scoped3A = tpu.sem_alloc : memref<!tpu.dma_semaphore, #tpu.memory_space<semaphore_mem>>
            %dma_start3A = arith.constant 0 : i32
            %dma_start3A_57 = tpu.memref_slice %arg9[%sub3A_56, %dma_start3A] : memref<40x128xi32, #tpu.memory_space<vmem>> -> memref<1x128xi32, #tpu.memory_space<vmem>>
            %dma_start3A_58 = tpu.memref_squeeze %dma_start3A_57 : memref<1x128xi32, #tpu.memory_space<vmem>> -> memref<128xi32, #tpu.memory_space<vmem>>
            %dma_start3A_59 = arith.constant 0 : i32
            %dma_start3A_60 = arith.constant 0 : i32
            %dma_start3A_61 = tpu.memref_slice %arg7[%dma_start3A_59, %dma_start3A_60] : memref<10112x128xf32, #tpu.memory_space<vmem_shared>> -> memref<10112x128xf32, #tpu.memory_space<vmem_shared>>
            tpu.enqueue_indirect_dma source(%arg10 : memref<128x128xf32, #tpu.memory_space<vmem>>) target(%dma_start3A_61 : memref<10112x128xf32, #tpu.memory_space<vmem_shared>>) offsets(%dma_start3A_58 : memref<128xi32, #tpu.memory_space<vmem>>) semaphore(%run_scoped3A : memref<!tpu.dma_semaphore, #tpu.memory_space<semaphore_mem>>) {add = true}
            %dma_wait3A_62 = arith.constant 0 : i32
            %dma_wait3A_63 = tpu.memref_slice %arg9[%sub3A_56, %dma_wait3A_62] : memref<40x128xi32, #tpu.memory_space<vmem>> -> memref<1x128xi32, #tpu.memory_space<vmem>>
            %dma_wait3A_64 = tpu.memref_squeeze %dma_wait3A_63 : memref<1x128xi32, #tpu.memory_space<vmem>> -> memref<128xi32, #tpu.memory_space<vmem>>
            %dma_wait3A_65 = arith.constant 0 : i32
            %dma_wait3A_66 = arith.constant 0 : i32
            %dma_wait3A_67 = tpu.memref_slice %arg7[%dma_wait3A_65, %dma_wait3A_66] : memref<10112x128xf32, #tpu.memory_space<vmem_shared>> -> memref<10112x128xf32, #tpu.memory_space<vmem_shared>>
            tpu.wait_indirect_dma semaphore(%run_scoped3A : memref<!tpu.dma_semaphore, #tpu.memory_space<semaphore_mem>>) src(%arg10 : memref<128x128xf32, #tpu.memory_space<vmem>>) dst(%dma_wait3A_67 : memref<10112x128xf32, #tpu.memory_space<vmem_shared>>)
            tpu.yield
          }) : () -> ()
        } else {
        }
      }
      %scan3A_19 = arith.constant 21 : i32
    }
    %scan3A_7 = arith.constant 2 : i32
    %barrier3A_8 = arith.constant 0 : index
    tpu.barrier barrier_id(%barrier3A_8)
    "tpu.region"() ({
      %run_scoped3A = tpu.sem_alloc : memref<!tpu.dma_semaphore, #tpu.memory_space<semaphore_mem>>
      %dma_start3A = arith.constant 0 : i32
      %dma_start3A_9 = tpu.memref_slice %arg6[%arg0, %mul3A_2, %dma_start3A] : memref<2x10112x128xf32, #tpu.memory_space<hbm>> -> memref<1x632x128xf32, #tpu.memory_space<hbm>>
      %dma_start3A_10 = tpu.memref_squeeze %dma_start3A_9 : memref<1x632x128xf32, #tpu.memory_space<hbm>> -> memref<632x128xf32, #tpu.memory_space<hbm>>
      %dma_start3A_11 = arith.constant 0 : i32
      %dma_start3A_12 = tpu.memref_slice %arg7[%mul3A_2, %dma_start3A_11] : memref<10112x128xf32, #tpu.memory_space<vmem_shared>> -> memref<632x128xf32, #tpu.memory_space<vmem_shared>>
      tpu.enqueue_dma source(%dma_start3A_12 : memref<632x128xf32, #tpu.memory_space<vmem_shared>>) target(%dma_start3A_10 : memref<632x128xf32, #tpu.memory_space<hbm>>) target_semaphore(%run_scoped3A : memref<!tpu.dma_semaphore, #tpu.memory_space<semaphore_mem>>)
      %dma_wait3A = arith.constant 0 : i32
      %dma_wait3A_13 = tpu.memref_slice %arg6[%arg0, %mul3A_2, %dma_wait3A] : memref<2x10112x128xf32, #tpu.memory_space<hbm>> -> memref<1x632x128xf32, #tpu.memory_space<hbm>>
      %dma_wait3A_14 = tpu.memref_squeeze %dma_wait3A_13 : memref<1x632x128xf32, #tpu.memory_space<hbm>> -> memref<632x128xf32, #tpu.memory_space<hbm>>
      %dma_wait3A_15 = arith.constant 0 : i32
      %dma_wait3A_16 = tpu.memref_slice %arg7[%mul3A_2, %dma_wait3A_15] : memref<10112x128xf32, #tpu.memory_space<vmem_shared>> -> memref<632x128xf32, #tpu.memory_space<vmem_shared>>
      tpu.wait_dma2 semaphore(%run_scoped3A : memref<!tpu.dma_semaphore, #tpu.memory_space<semaphore_mem>>) src(%dma_wait3A_16 : memref<632x128xf32, #tpu.memory_space<vmem_shared>>) dst(%dma_wait3A_14 : memref<632x128xf32, #tpu.memory_space<hbm>>)
      tpu.yield
    }) : () -> ()
    return
  }
}

module attributes {stable_mosaic.version = 14 : i64} {
  func.func @_tc_first_body(%arg0: memref<10000x128xf32, #tpu.memory_space<vmem>>, %arg1: memref<128x128xf32, #tpu.memory_space<vmem>>, %arg2: memref<10000x1xf32, #tpu.memory_space<vmem>>, %arg3: memref<10000x128xf32, #tpu.memory_space<vmem>>) attributes {dimension_semantics = [], scalar_prefetch = 0 : i64, scratch_operands = 0 : i64, tpu.core_type = #tpu.core_type<tc>} {
    %get3A = arith.constant 0 : index
    %get3A_0 = arith.constant 0 : index
    %get3A_1 = vector.load %arg0[%get3A, %get3A_0] : memref<10000x128xf32, #tpu.memory_space<vmem>>, vector<10000x128xf32>
    %get3A_2 = arith.constant 0 : index
    %get3A_3 = arith.constant 0 : index
    %get3A_4 = vector.load %arg1[%get3A_2, %get3A_3] : memref<128x128xf32, #tpu.memory_space<vmem>>, vector<128x128xf32>
    %dot_general3A = arith.constant dense<0.000000e+00> : vector<10000x128xf32>
    %dot_general3A_5 = tpu.matmul %get3A_1, %get3A_4, %dot_general3A {dimension_numbers = #tpu.dot_dimension_numbers<[1], [0], [0], [1], [0, 0, 1, 1], [], []>, transpose_lhs_hint = false} : vector<10000x128xf32>, vector<128x128xf32>, vector<10000x128xf32> -> vector<10000x128xf32>
    %get3A_6 = arith.constant 0 : index
    %get3A_7 = arith.constant 0 : index
    %get3A_8 = vector.load %arg2[%get3A_6, %get3A_7] : memref<10000x1xf32, #tpu.memory_space<vmem>>, vector<10000x1xf32>
    %mul3A = vector.broadcast %get3A_8 : vector<10000x1xf32> to vector<10000x128xf32>
    %mul3A_9 = arith.mulf %dot_general3A_5, %mul3A : vector<10000x128xf32>
    %swap3A = arith.constant 0 : index
    %swap3A_10 = arith.constant 0 : index
    %swap3A_11 = vector.load %arg3[%swap3A, %swap3A_10] : memref<10000x128xf32, #tpu.memory_space<vmem>>, vector<10000x128xf32>
    tpu.vector_store %arg3[%swap3A, %swap3A_10], %mul3A_9 {strides = array<i32>} : memref<10000x128xf32, #tpu.memory_space<vmem>>, vector<10000x128xf32>,
    return
  }
}

module attributes {stable_mosaic.version = 14 : i64} {
  func.func @_tc_mid_body(%arg0: memref<10112x128xf32, #tpu.memory_space<vmem>>, %arg1: memref<10112x128xf32, #tpu.memory_space<vmem>>, %arg2: memref<10112x1xf32, #tpu.memory_space<vmem>>, %arg3: memref<10112x1xf32, #tpu.memory_space<vmem>>, %arg4: memref<1x128xf32, #tpu.memory_space<vmem>>, %arg5: memref<128x128xf32, #tpu.memory_space<vmem>>, %arg6: memref<10112x128xf32, #tpu.memory_space<vmem>>) attributes {dimension_semantics = [], scalar_prefetch = 0 : i64, scratch_operands = 0 : i64, tpu.core_type = #tpu.core_type<tc>} {
    %get3A = arith.constant 0 : index
    %get3A_0 = arith.constant 0 : index
    %get3A_1 = vector.load %arg0[%get3A, %get3A_0] : memref<10112x128xf32, #tpu.memory_space<vmem>>, vector<10112x128xf32>
    %get3A_2 = arith.constant 0 : index
    %get3A_3 = arith.constant 0 : index
    %get3A_4 = vector.load %arg1[%get3A_2, %get3A_3] : memref<10112x128xf32, #tpu.memory_space<vmem>>, vector<10112x128xf32>
    %add3A = arith.addf %get3A_1, %get3A_4 : vector<10112x128xf32>
    %get3A_5 = arith.constant 0 : index
    %get3A_6 = arith.constant 0 : index
    %get3A_7 = vector.load %arg2[%get3A_5, %get3A_6] : memref<10112x1xf32, #tpu.memory_space<vmem>>, vector<10112x1xf32>
    %mul3A = vector.broadcast %get3A_7 : vector<10112x1xf32> to vector<10112x128xf32>
    %mul3A_8 = arith.mulf %add3A, %mul3A : vector<10112x128xf32>
    %get3A_9 = arith.constant 0 : index
    %get3A_10 = arith.constant 0 : index
    %get3A_11 = vector.load %arg4[%get3A_9, %get3A_10] : memref<1x128xf32, #tpu.memory_space<vmem>>, vector<1x128xf32>
    %add3A_12 = vector.broadcast %get3A_11 : vector<1x128xf32> to vector<10112x128xf32>
    %add3A_13 = arith.addf %mul3A_8, %add3A_12 : vector<10112x128xf32>
    %max3A = arith.constant 0.000000e+00 : f32
    %max3A_14 = vector.broadcast %max3A : f32 to vector<10112x128xf32>
    %max3A_15 = arith.maximumf %add3A_13, %max3A_14 : vector<10112x128xf32>
    %get3A_16 = arith.constant 0 : index
    %get3A_17 = arith.constant 0 : index
    %get3A_18 = vector.load %arg5[%get3A_16, %get3A_17] : memref<128x128xf32, #tpu.memory_space<vmem>>, vector<128x128xf32>
    %dot_general3A = arith.constant dense<0.000000e+00> : vector<10112x128xf32>
    %dot_general3A_19 = tpu.matmul %max3A_15, %get3A_18, %dot_general3A {dimension_numbers = #tpu.dot_dimension_numbers<[1], [0], [0], [1], [0, 0, 1, 1], [], []>, transpose_lhs_hint = false} : vector<10112x128xf32>, vector<128x128xf32>, vector<10112x128xf32> -> vector<10112x128xf32>
    %get3A_20 = arith.constant 0 : index
    %get3A_21 = arith.constant 0 : index
    %get3A_22 = vector.load %arg3[%get3A_20, %get3A_21] : memref<10112x1xf32, #tpu.memory_space<vmem>>, vector<10112x1xf32>
    %mul3A_23 = vector.broadcast %get3A_22 : vector<10112x1xf32> to vector<10112x128xf32>
    %mul3A_24 = arith.mulf %dot_general3A_19, %mul3A_23 : vector<10112x128xf32>
    %swap3A = arith.constant 0 : index
    %swap3A_25 = arith.constant 0 : index
    %swap3A_26 = vector.load %arg6[%swap3A, %swap3A_25] : memref<10112x128xf32, #tpu.memory_space<vmem>>, vector<10112x128xf32>
    tpu.vector_store %arg6[%swap3A, %swap3A_25], %mul3A_24 {strides = array<i32>} : memref<10112x128xf32, #tpu.memory_space<vmem>>, vector<10112x128xf32>,
    return
  }
}

module attributes {stable_mosaic.version = 14 : i64} {
  func.func @_tc_last_body(%arg0: memref<10112x128xf32, #tpu.memory_space<vmem>>, %arg1: memref<10112x128xf32, #tpu.memory_space<vmem>>, %arg2: memref<10112x1xf32, #tpu.memory_space<vmem>>, %arg3: memref<1x64xf32, #tpu.memory_space<vmem>>, %arg4: memref<10112x64xf32, #tpu.memory_space<vmem>>) attributes {dimension_semantics = [], scalar_prefetch = 0 : i64, scratch_operands = 0 : i64, tpu.core_type = #tpu.core_type<tc>} {
    %get3A = arith.constant 0 : index
    %get3A_0 = arith.constant 0 : index
    %get3A_1 = vector.load %arg0[%get3A, %get3A_0] : memref<10112x128xf32, #tpu.memory_space<vmem>>, vector<10112x64xf32>
    %get3A_2 = arith.constant 0 : index
    %get3A_3 = arith.constant 0 : index
    %get3A_4 = vector.load %arg1[%get3A_2, %get3A_3] : memref<10112x128xf32, #tpu.memory_space<vmem>>, vector<10112x64xf32>
    %add3A = arith.addf %get3A_1, %get3A_4 : vector<10112x64xf32>
    %get3A_5 = arith.constant 0 : index
    %get3A_6 = arith.constant 0 : index
    %get3A_7 = vector.load %arg2[%get3A_5, %get3A_6] : memref<10112x1xf32, #tpu.memory_space<vmem>>, vector<10112x1xf32>
    %mul3A = vector.broadcast %get3A_7 : vector<10112x1xf32> to vector<10112x64xf32>
    %mul3A_8 = arith.mulf %add3A, %mul3A : vector<10112x64xf32>
    %get3A_9 = arith.constant 0 : index
    %get3A_10 = arith.constant 0 : index
    %get3A_11 = vector.load %arg3[%get3A_9, %get3A_10] : memref<1x64xf32, #tpu.memory_space<vmem>>, vector<1x64xf32>
    %add3A_12 = vector.broadcast %get3A_11 : vector<1x64xf32> to vector<10112x64xf32>
    %add3A_13 = arith.addf %mul3A_8, %add3A_12 : vector<10112x64xf32>
    %swap3A = arith.constant 0 : index
    %swap3A_14 = arith.constant 0 : index
    %swap3A_15 = vector.load %arg4[%swap3A, %swap3A_14] : memref<10112x64xf32, #tpu.memory_space<vmem>>, vector<10112x64xf32>
    tpu.vector_store %arg4[%swap3A, %swap3A_14], %add3A_13 {strides = array<i32>} : memref<10112x64xf32, #tpu.memory_space<vmem>>, vector<10112x64xf32>,
    return
  }
}

</mosaic_0001>

<sc_bundles>
// kernel: kernel.11.cloned.1.call-start
scs
__scs_entry_jumppad:
0x0: {  	(pc) =	sbr.rel $0x88, $3  }
0x1: {  	(tag) =	ssettag $0x0;
	lr =	simm.s32 $0x1  }
0x2: {  	[smem:$0x3F99] =	sst lr;
	_ =	strace $0xD0000000  }
0x3: {  	_ = 	snop  }
0x4: {  	_ = 	snop  }
0x5: {  	_ = 	snop  }
0x6: {  	_ = 	snop  }
0x7: {  	_ = 	snop  }
__scs_overlays_trampoline_lowered:
0x8: {  	[smem:$0x3FA8] =	sst s0  }
0x9: {  	[smem:$0x3FA9] =	sst s1  }
0xa: {  	[smem:$0x3FAA] =	sst s2  }
0xb: {  	[smem:$0x3FAB] =	sst s3  }
0xc: {  	[smem:$0x3FAC] =	sst s4  }
0xd: {  	[smem:$0x3FAD] =	sst s5  }
0xe: {  	[smem:$0x3FAE] =	sst s6  }
0xf: {  	[smem:$0x3FAF] =	sst s7  }
0x10: {  	[smem:$0x3FB0] =	sst s8  }
0x11: {  	[smem:$0x3FB1] =	sst s9;
	s0 =	simm.s32 @!p0 $0x0  }
0x12: {  	s1 =	sld [smem:$0x3F97];
	s0 =	simm.s32 @p0 $0x1  }
0x13: {  	[smem:$0x3FB2] =	sst s0;
	s0 =	simm.s32 @!p1 $0x0  }
0x14: {  	s2 =	sld [smem:$0x3F96];
	s0 =	simm.s32 @p1 $0x1  }
0x15: {  	[smem:$0x3FB3] =	sst s0;
	s0 =	simm.s32 @!p2 $0x0  }
0x16: {  	s3 =	sld [smem:$0x3FDB];
	s0 =	simm.s32 @p2 $0x1  }
0x17: {  	s4 =	simm.s32 $0x1BF5;
	[smem:$0x3FB5] =	sst s0  }
0x18: {  	s0 =	sld [smem:$0x3F98];
	_ =	swait.ge [sflag:s4], $0x0  }
0x19: {  	s7 =	sld [smem:$0x3F99]  }
0x1a: {  	s8 =	sadd.s32 $0xFFFFE003, lr  }
0x1b: {  	s9 =	sadd.s32 $0xFFFFFEF7, lr;
	s5 =	simm.s32 $0xFFFFFFFF;
	p2 =	slt.u32 s8, $0xFFFFF086  }
0x1c: {  	p1 =	slt.u32 s9, $0xF7A;
	s5 =	simm.s32 @!p2 $0x0  }
0x1d: {  	s5 =	simm.s32 @p1 $0x1;
	p0 =	seq.s32 s7, s2  }
0x1e: {  	s7 =	smul.u32 @!p0 $0xF7A, s2;
	p2 =	seq.s32 @!p0 s5, $0x0  }
0x1f: {  	s9 =	smul.u32 $0xF7A, s1;
	s8 =	simm.s32 @!p0 $0x1BF5;
	p2 =	por !p2, p0  }
0x20: {  	[sflag:s8] =	ssyncset.s32 @!p0 $0xFFFFF086;
	s6 =	sadd.s32 @!p0 s3, s7;
	s7 =	simm.s32 @!p0 $0x108  }
0x21: {  	s3 =	sadd.s32 s3, s9;
	s6 =	sadd.s32 @!p0 $0x88, s6;
	s7 =	simm.s32 @p2 $0x1082  }
0x22: {  	[simem:s7], [sflag:s8] =	dma.local @!p0 [hbm:s6], $0xF7A  }
0x23: {  	s9 =	sor.u32 $0xD0000000, s2;
	s6 =	simm.s32 $0x108;
	_ =	swait.ge @!p0 [sflag:s8], $0x0  }
0x24: {  	s3 =	sadd.s32 $0x88, s3;
	s6 =	simm.s32 @!p1 $0x1082;
	[sflag:s4] =	ssyncset.s32 $0xFFFFF086  }
0x25: {  	[simem:s6], [sflag:s4] =	dma.local [hbm:s3], $0xF7A  }
0x26: {  	[smem:$0x3F99] =	sst s1;
	(tag) =	ssettag s2;
	_ =	strace s9  }
0x27: {  	s1 =	sld [smem:$0x3FA9]  }
0x28: {  	s2 =	sld [smem:$0x3FAA]  }
0x29: {  	s4 =	sld [smem:$0x3FAC]  }
0x2a: {  	p0 =	seq.s32 s5, $0x0;
	s5 =	sld [smem:$0x3FAD]  }
0x2b: {  	s6 =	sld [smem:$0x3FAE]  }
0x2c: {  	s7 =	sld [smem:$0x3FAF]  }
0x2d: {  	s3 =	simm.s32 $0x108;
	s8 =	sld [smem:$0x3FB0]  }
0x2e: {  	s3 =	simm.s32 @!p0 $0x1082;
	s9 =	sld [smem:$0x3FB1]  }
0x2f: {  	lr =	sadd.s32 s0, s3;
	s0 =	sld [smem:$0x3FA8]  }
0x30: {  	s3 =	sld [smem:$0x3FAB]  }
0x31: {  	[smem:$0x3FB4] =	sst s10  }
0x32: {  	s10 =	sld [smem:$0x3FB2];
	_ =	sdelay $0x3  }
0x33: {  	p0 =	seq.s32 s10, $0x1;
	s10 =	sld [smem:$0x3FB4];
	_ =	sdelay $0x3  }
0x34: {  	[smem:$0x3FB4] =	sst s10  }
0x35: {  	s10 =	sld [smem:$0x3FB3];
	_ =	sdelay $0x3  }
0x36: {  	p1 =	seq.s32 s10, $0x1;
	s10 =	sld [smem:$0x3FB4];
	_ =	sdelay $0x3  }
0x37: {  	[smem:$0x3FB4] =	sst s10  }
0x38: {  	s10 =	sld [smem:$0x3FB5]  }
0x39: {  	_ = 	snop;
	(pc) =	sbr.ind lr, $3  }
0x3a: {  	_ = 	snop  }
0x3b: {  	_ = 	snop  }
0x3c: {  	p2 =	seq.s32 s10, $0x1;
	s10 =	sld [smem:$0x3FB4]  }
0x3d: {  	_ =	shalt  }
0x3e: {  	_ =	shalt  }
0x3f: {  	_ =	shalt  }
0x40: {  	_ =	shalt  }
0x41: {  	_ =	shalt  }
0x42: {  	_ =	shalt  }
0x43: {  	_ =	shalt  }
0x44: {  	_ =	shalt  }
0x45: {  	_ =	shalt  }
0x46: {  	_ =	shalt  }
0x47: {  	_ =	shalt  }
0x48: {  	_ =	shalt  }
0x49: {  	_ =	shalt  }
0x4a: {  	_ =	shalt  }
0x4b: {  	_ =	shalt  }
0x4c: {  	_ =	shalt  }
0x4d: {  	_ =	shalt  }
0x4e: {  	_ =	shalt  }
0x4f: {  	_ =	shalt  }
0x50: {  	_ =	shalt  }
0x51: {  	_ =	shalt  }
0x52: {  	_ =	shalt  }
0x53: {  	_ =	shalt  }
0x54: {  	_ =	shalt  }
0x55: {  	_ =	shalt  }
0x56: {  	_ =	shalt  }
0x57: {  	_ =	shalt  }
0x58: {  	_ =	shalt  }
0x59: {  	_ =	shalt  }
0x5a: {  	_ =	shalt  }
0x5b: {  	_ =	shalt  }
0x5c: {  	_ =	shalt  }
0x5d: {  	_ =	shalt  }
0x5e: {  	_ =	shalt  }
0x5f: {  	_ =	shalt  }
0x60: {  	_ =	shalt  }
0x61: {  	_ =	shalt  }
0x62: {  	_ =	shalt  }
0x63: {  	_ =	shalt  }
0x64: {  	_ =	shalt  }
0x65: {  	_ =	shalt  }
0x66: {  	_ =	shalt  }
0x67: {  	_ =	shalt  }
0x68: {  	_ =	shalt  }
0x69: {  	_ =	shalt  }
0x6a: {  	_ =	shalt  }
0x6b: {  	_ =	shalt  }
0x6c: {  	_ =	shalt  }
0x6d: {  	_ =	shalt  }
0x6e: {  	_ =	shalt  }
0x6f: {  	_ =	shalt  }
0x70: {  	_ =	shalt  }
0x71: {  	_ =	shalt  }
0x72: {  	_ =	shalt  }
0x73: {  	_ =	shalt  }
0x74: {  	_ =	shalt  }
0x75: {  	_ =	shalt  }
0x76: {  	_ =	shalt  }
0x77: {  	_ =	shalt  }
0x78: {  	_ =	shalt  }
0x79: {  	_ =	shalt  }
0x7a: {  	_ =	shalt  }
0x7b: {  	_ =	shalt  }
0x7c: {  	_ =	shalt  }
0x7d: {  	_ =	shalt  }
0x7e: {  	_ =	shalt  }
0x7f: {  	_ =	shalt  }
0x80: {  	_ =	shalt  }
0x81: {  	_ =	shalt  }
0x82: {  	_ =	shalt  }
0x83: {  	_ =	shalt  }
0x84: {  	_ =	shalt  }
0x85: {  	_ =	shalt  }
0x86: {  	_ =	shalt  }
0x87: {  	_ =	shalt  }
.Lfunc_end0:
.L_simem_size_0:
called_computation_lowered:
.L_overlay_start_0:
0x88: {  	s2 =	sld [smem:$0x3FD9]  }
0x89: {  	s3 =	sld [smem:$0x3FFE];
	_ =	sdelay $0x1  }
0x8a: {  	s1 =	srdreg.scid  }
0x8b: {  	s0 =	sand.u32 $0x1, s1  }
0x8c: {  	s16 =	sshll.u32 s0, $0xA;
	s2 =	sadd.s32 s3, s2  }
0x8d: {  	s2 =	sadd.s32 s2, s16  }
0x8e: {  	[smem:$0x3FC0] =	sst s2  }
0x8f: {  	_ = 	snop  }
0x90: {  	(tm) =	ssettm $0x1  }
0x91: {  	s17 =	sld [smem:$0x3FFB];
	_ =	sdelay $0x3  }
0x92: {  	_ =	strace s17  }
0x93: {  	s2 =	sld [smem:$0x3FFC];
	_ =	sdelay $0x3  }
0x94: {  	_ =	strace s2  }
0x95: {  	s2 =	sld [smem:$0x3FFD];
	_ =	sdelay $0x3  }
0x96: {  	_ =	strace s2  }
0x97: {  	_ =	strace $0x8FFFFFFF  }
0x98: {  	s18 =	sld [smem:$0x3FDB];
	_ =	sdelay $0x1  }
0x99: {  	s19 =	simm.s32 $_scs_section_size  }
0x9a: {  	s4 =	simm.s32 $_size__tile_overlayer_lowered;
	s5 =	simm.s32 $_tile_overlayer_lowered  }
0x9b: {  	s22 =	simm.s32 $0x1BFF;
	s21 =	sshll.u32 s5, $0x1;
	s2 =	sadd.s32 s19, s18  }
0x9c: {  	s6 =	simm.s32 $0x0;
	s20 =	sshll.u32 s4, $0x1;
	s4 =	sadd.s32 s21, s2  }
0x9d: {  	[timem:s6], [sflag:s22] =	dma.local [hbm:s4], s20  }
0x9e: {  	_ =	swait.ge [sflag:s22], s20  }
0x9f: {  	s3 =	ssub.s32 $0x0, s20;
	[sflag:s22] =	ssyncset.done $0x0  }
0xa0: {  	[sflag:s22] =	ssyncadd.s32 s3;
	_ =	sdelay $0x1  }
0xa1: {  	s23 =	simm.s32 $0x1B8B  }
0xa2: {  	_ =	swait.ge [sflag:s23], $0x1  }
0xa3: {  	[sflag:s23] =	ssyncset.done $0x0  }
0xa4: {  	s25 =	simm.s32 $0x1B8E;
	s24 =	sld [smem:$0x3FFE];
	[sflag:s23] =	ssyncadd.s32 $0xFFFFFFFF  }
0xa5: {  	s26 =	simm.s32 $execute0_lowered;
	[smem:$0x3FD2] =	sst s25  }
0xa6: {  	s4 =	sshll.u32 s26, $0x1;
	_ =	strace $0x80000046;
	[dreg:$0x1] =	wrdreg $0xFFFFFFFF  }
0xa7: {  	s28 =	simm.s32 $_size_execute0_lowered;
	s2 =	sadd.s32 s2, s4;
	[dreg:$0x0] =	wrdreg $0x0  }
0xa8: {  	s4 =	sshll.u32 s28, $0x1;
	[dreg:$0x2] =	wrdreg s2  }
0xa9: {  	[dreg:$0x3] =	wrdreg s4  }
0xaa: {  	[dreg:$0x4] =	wrdreg $0xC0  }
0xab: {  	_ =	task [dreg:s6], $0x5FFFF  }
0xac: {  	[dreg:$0x1] =	wrdreg $0xFFFFFFFF  }
0xad: {  	[dreg:$0x0] =	wrdreg $0x60  }
0xae: {  	[dreg:$0x2] =	wrdreg s24  }
0xaf: {  	[dreg:$0x3] =	wrdreg $0x0  }
0xb0: {  	[dreg:$0x4] =	wrdreg $0xA  }
0xb1: {  	_ =	task.clear_ibuf [dreg:s6], $0x5FFFF;
	_ =	strace $0x90000046  }
0xb2: {  	s29 =	simm.s32 $0xA;
	_ =	strace $0x80000048  }
0xb3: {  	_ =	swait.ge [sflag:s29], $0x1  }
0xb4: {  	[sflag:s29] =	ssyncadd.s32 $0xFFFFFFFF  }
0xb5: {  	_ =	strace $0x90000048  }
0xb6: {  	_ =	sfence  }
0xb7: {  	s30 =	sld [smem:$0x0];
	_ =	sdelay $0x2  }
0xb8: {  	s31 =	sshll.u32 s1, $0xD;
	s1 =	sshrl.u32 s1, $0x2  }
0xb9: {  	s3 =	sand.u32 $0x4000, s31;
	s1 =	sadd.s32 s1, s30  }
0xba: {  	s0 =	sor.u32 s3, s0;
	s1 =	sshll.u32 s1, $0x11  }
0xbb: {  	s0 =	sor.u32 s1, s0  }
0xbc: {  	s0 =	sadd.s32 $0x8F2B, s0  }
0xbd: {  	[sflag:s0] =	ssyncadd.remote.s32 $0x1  }
0xbe: {  	_ =	sfence.sel $0xFFFF  }
0xbf: {  	[dreg:$0x0] =	wrdreg $0xFFFFFFFF;
	(pc) =	sbr.abs _section_cstart, $3  }
0xc0: {  	[dreg:$0x1] =	wrdreg $0xFFFFFFFF  }
0xc1: {  	_ =	task.clear_ibuf [dreg:s6], $0x2FFFF;
	_ =	strace $0x9FFFFFFF  }
0xc2: {  	(tm) =	ssettm $0x7FFFFFFF  }
0xc3: {  	_ =	shalt  }
tec
execute0_lowered:
.L_overlay_start_1:
0x0: {  	(tag) =	ssettag $0x1  }
0x1: {  	s0 =	srdreg.scid;
	s6 =	rddreg [dreg:$0x0]  }
0x2: {  	s2 =	rddreg [dreg:$0x1];
	s3 =	simm.s32 $0x0;
	s11 =	simm.s32 $0x16400  }
0x3: {  	s14 =	simm.s32 $0x80;
	s15 =	simm.s32 $0x1;
	s5 =	sand.u32 $0x1, s0  }
0x4: {  	s16 =	simm.s32 $0x0;
	s0 =	stileid.u32;
	s7 =	smul.u32 $0x13C000, s5  }
0x5: {  	[smem:$0x7FF] =	sst s3;
	s1 =	sshll.u32 s5, $0x4;
	s8 =	smul.u32 $0x13C00, s0  }
0x6: {  	s29 =	ssub.s32 $0x2, s5;
	s10 =	smul.u32 $0x4F000, s0;
	s5 =	sadd.s32 $0x18200, s6  }
0x7: {  	s12 =	sshll.u32 s0, $0x6;
	s1 =	sor.u32 s0, s1;
	s30 =	sshrl.u32 s29, $0x1  }
0x8: {  	s12 =	sor.u32 $0x1C02, s12;
	s4 =	smul.u32 $0x500, s1;
	s1 =	rddreg [dreg:$0x2]  }
0x9: {  	_ =	strace $0x80000047;
	s7 =	sadd.s32 s8, s7;
	s8 =	ssub.s32 s29, s30  }
0xa: {  	s31 =	sshrl.u32 s10, $0x2;
	s10 =	simm.s32 $0x2;
	s7 =	sshrl.u32 s7, $0x3  }
0xb: {  	s13 =	sadd.s32 s31, s2;
	s8 =	smax.u32 s8, $0x1;
	s9 =	sadd.s32 s4, s6  }
0xc: {  	s4 =	sadd.s32 $0x17A00, s6;
	s7 =	sadd.s32 s7, s6;
	s13 =	sshrl.u32 s13, $0x3  }
0xd: {  	s6 =	sadd.s32 $0x3A00, s9;
	s7 =	sadd.s32 $0x1AA00, s7;
	s9 =	simm.s32 $0x13C00  }
.LBB2_1:
0xe: {  	[tilespmem:s9], [sflag:$0x2] =	stream.linear.gather [hbm4b:s6+s3], $0x2800, $0x38;
	[tilespmem:$0x1A400] =	vst v63  }
0xf: {  	_ =	swait.ge [sflag:s10], $0x2800  }
0x10: {  	[sflag:s10] =	ssyncset.done $0x0  }
0x11: {  	[sflag:s10] =	ssyncadd.s32 $0xFFFFD800  }
0x12: {  	[tilespmem:s11], [sflag:$0x2] =	stream.linear.gather [hbm4b:s4+s3], $0x4000, $0x38;
	[tilespmem:$0x1A400] =	vst v63  }
0x13: {  	_ =	swait.ge [sflag:s10], $0x4000  }
0x14: {  	[sflag:s10] =	ssyncset.done $0x0  }
0x15: {  	[sflag:s10] =	ssyncadd.s32 $0xFFFFC000  }
0x16: {  	[spmem:s13], [sflag:s12] =	dma.local [hbm:s5], $0x2780  }
0x17: {  	_ =	swait.ge [sflag:s10], $0x2780  }
0x18: {  	[sflag:s10] =	ssyncset.done $0x0  }
0x19: {  	[sflag:s10] =	ssyncadd.s32 $0xFFFFD880  }
0x1a: {  	s17 =	simm.s32 $0x0;
	[bflag:$0x0] =	sbarrier.arrive $0xFFFF  }
.LBB2_2:
0x1b: {  	p0 =	sne.s32 s17, $0x9E00  }
.Ltmp0:
0x1c: {  	_ = 	snop;
	(pc) =	sbr.rel @p0 .LBB2_2-.Ltmp0, $4  }
0x1d: {  	_ = 	snop  }
0x1e: {  	s18 =	sshra.s32 s17, $0x2  }
0x1f: {  	s17 =	sadd.s32 $0x200, s17;
	s18 =	sadd.s32 $0x13C00, s18  }
0x20: {  	[spmem:s2] =	stream.indirect.scatter.add.f32 [tilespmem:s11], [sflag:$0x1], $0x80, s18, s14, $0xb8;
	[tilespmem:$0x1A400] =	vst v63  }
0x21: {  	_ =	swait.ge [sflag:s15], $0x4000  }
0x22: {  	s17 =	simm.s32 $0x4F;
	[sflag:s15] =	ssyncset.done $0x0  }
.LBB2_4:
0x23: {  	p0 =	sne.s32 s17, $0x1;
	s17 =	sadd.s32 $0xFFFFFFFF, s17;
	[sflag:s15] =	ssyncadd.s32 $0xFFFFC000  }
.Ltmp1:
0x24: {  	(pc) =	sbr.rel @p0 .LBB2_4-.Ltmp1, $3  }
0x25: {  	_ =	sdelay $0x1  }
0x26: {  	_ =	swait.ge [sflag:s15], $0x4000  }
0x27: {  	[sflag:s15] =	ssyncset.done $0x0  }
0x28: {  	s16 =	sadd.s32 $0x1, s16  }
0x29: {  	[sflag:s15] =	ssyncadd.s32 $0xFFFFC000;
	p0 =	sne.s32 s16, s8  }
.Ltmp2:
0x2a: {  	[bflag:$0x0] =	sbarrier.arrive $0xFFFF;
	(pc) =	sbr.rel @p0 .LBB2_1-.Ltmp2, $4  }
0x2b: {  	[hbm:s7], [sflag:s12] =	dma.local [spmem:s13], $0x2780  }
0x2c: {  	_ =	swait.ge [sflag:s10], $0x2780  }
0x2d: {  	[sflag:s10] =	ssyncset.done $0x0  }
0x2e: {  	[sflag:s10] =	ssyncadd.s32 $0xFFFFD880  }
0x2f: {  	_ =	sfence.sel $0x180000  }
0x30: {  	[bflag:$0x0] =	sbarrier.arrive $0xFFFF  }
0x31: {  	p0 =	sne.s32 s0, $0x0;
	_ =	strace $0x90000047  }
0x32: {  	s0 =	sadd.s32 @!p0 $0x100000, s1;
	[bflag:$0x2] =	sbarrier.arrive $0xFFFF  }
0x33: {  	[sflag:s0] =	ssyncadd.tile.s32 @!p0 $0x1;
	_ =	shalt  }
.Lfunc_end2:
_tile_overlayer_lowered:
.L_overlay_start_2:
0x34: {  	(tag) =	ssettag $0x2  }
0x35: {  	s0 =	rddreg [dreg:$0x0];
	s2 =	stileid.u32  }
0x36: {  	s1 =	rddreg [dreg:$0x1];
	p0 =	sne.s32 s2, $0x0  }
0x37: {  	s3 =	rddreg [dreg:$0x2];
	[bflag:$0x3] =	sbarrier.arrive $0xFFFF;
	s2 =	simm.s32 @!p0 $0x1C02  }
0x38: {  	[timem:s3], [sflag:s2] =	dma.local @!p0 [hbm:s0], s1  }
0x39: {  	s0 =	simm.s32 @!p0 $0x2  }
0x3a: {  	_ =	swait.ge @!p0 [sflag:s0], s1  }
0x3b: {  	s1 =	ssub.s32 @!p0 $0x0, s1;
	[sflag:s0] =	ssyncset.done @!p0 $0x0  }
0x3c: {  	[sflag:s0] =	ssyncadd.s32 @!p0 s1  }
0x3d: {  	[bflag:$0x3] =	sbarrier.arrive $0xFFFF  }
0x3e: {  	_ =	shalt  }

// kernel: kernel.14.cloned.1.call-start
scs
__scs_entry_jumppad:
0x0: {  	(pc) =	sbr.rel $0x88, $3  }
0x1: {  	(tag) =	ssettag $0x0;
	lr =	simm.s32 $0x1  }
0x2: {  	[smem:$0x3F99] =	sst lr;
	_ =	strace $0xD0000000  }
0x3: {  	_ = 	snop  }
0x4: {  	_ = 	snop  }
0x5: {  	_ = 	snop  }
0x6: {  	_ = 	snop  }
0x7: {  	_ = 	snop  }
__scs_overlays_trampoline_lowered:
0x8: {  	[smem:$0x3FA8] =	sst s0  }
0x9: {  	[smem:$0x3FA9] =	sst s1  }
0xa: {  	[smem:$0x3FAA] =	sst s2  }
0xb: {  	[smem:$0x3FAB] =	sst s3  }
0xc: {  	[smem:$0x3FAC] =	sst s4  }
0xd: {  	[smem:$0x3FAD] =	sst s5  }
0xe: {  	[smem:$0x3FAE] =	sst s6  }
0xf: {  	[smem:$0x3FAF] =	sst s7  }
0x10: {  	[smem:$0x3FB0] =	sst s8  }
0x11: {  	[smem:$0x3FB1] =	sst s9;
	s0 =	simm.s32 @!p0 $0x0  }
0x12: {  	s1 =	sld [smem:$0x3F97];
	s0 =	simm.s32 @p0 $0x1  }
0x13: {  	[smem:$0x3FB2] =	sst s0;
	s0 =	simm.s32 @!p1 $0x0  }
0x14: {  	s2 =	sld [smem:$0x3F96];
	s0 =	simm.s32 @p1 $0x1  }
0x15: {  	[smem:$0x3FB3] =	sst s0;
	s0 =	simm.s32 @!p2 $0x0  }
0x16: {  	s3 =	sld [smem:$0x3FDB];
	s0 =	simm.s32 @p2 $0x1  }
0x17: {  	s4 =	simm.s32 $0x1BF5;
	[smem:$0x3FB5] =	sst s0  }
0x18: {  	s0 =	sld [smem:$0x3F98];
	_ =	swait.ge [sflag:s4], $0x0  }
0x19: {  	s7 =	sld [smem:$0x3F99]  }
0x1a: {  	s8 =	sadd.s32 $0xFFFFE003, lr  }
0x1b: {  	s9 =	sadd.s32 $0xFFFFFEF7, lr;
	s5 =	simm.s32 $0xFFFFFFFF;
	p2 =	slt.u32 s8, $0xFFFFF086  }
0x1c: {  	p1 =	slt.u32 s9, $0xF7A;
	s5 =	simm.s32 @!p2 $0x0  }
0x1d: {  	s5 =	simm.s32 @p1 $0x1;
	p0 =	seq.s32 s7, s2  }
0x1e: {  	s7 =	smul.u32 @!p0 $0xF7A, s2;
	p2 =	seq.s32 @!p0 s5, $0x0  }
0x1f: {  	s9 =	smul.u32 $0xF7A, s1;
	s8 =	simm.s32 @!p0 $0x1BF5;
	p2 =	por !p2, p0  }
0x20: {  	[sflag:s8] =	ssyncset.s32 @!p0 $0xFFFFF086;
	s6 =	sadd.s32 @!p0 s3, s7;
	s7 =	simm.s32 @!p0 $0x108  }
0x21: {  	s3 =	sadd.s32 s3, s9;
	s6 =	sadd.s32 @!p0 $0x88, s6;
	s7 =	simm.s32 @p2 $0x1082  }
0x22: {  	[simem:s7], [sflag:s8] =	dma.local @!p0 [hbm:s6], $0xF7A  }
0x23: {  	s9 =	sor.u32 $0xD0000000, s2;
	s6 =	simm.s32 $0x108;
	_ =	swait.ge @!p0 [sflag:s8], $0x0  }
0x24: {  	s3 =	sadd.s32 $0x88, s3;
	s6 =	simm.s32 @!p1 $0x1082;
	[sflag:s4] =	ssyncset.s32 $0xFFFFF086  }
0x25: {  	[simem:s6], [sflag:s4] =	dma.local [hbm:s3], $0xF7A  }
0x26: {  	[smem:$0x3F99] =	sst s1;
	(tag) =	ssettag s2;
	_ =	strace s9  }
0x27: {  	s1 =	sld [smem:$0x3FA9]  }
0x28: {  	s2 =	sld [smem:$0x3FAA]  }
0x29: {  	s4 =	sld [smem:$0x3FAC]  }
0x2a: {  	p0 =	seq.s32 s5, $0x0;
	s5 =	sld [smem:$0x3FAD]  }
0x2b: {  	s6 =	sld [smem:$0x3FAE]  }
0x2c: {  	s7 =	sld [smem:$0x3FAF]  }
0x2d: {  	s3 =	simm.s32 $0x108;
	s8 =	sld [smem:$0x3FB0]  }
0x2e: {  	s3 =	simm.s32 @!p0 $0x1082;
	s9 =	sld [smem:$0x3FB1]  }
0x2f: {  	lr =	sadd.s32 s0, s3;
	s0 =	sld [smem:$0x3FA8]  }
0x30: {  	s3 =	sld [smem:$0x3FAB]  }
0x31: {  	[smem:$0x3FB4] =	sst s10  }
0x32: {  	s10 =	sld [smem:$0x3FB2];
	_ =	sdelay $0x3  }
0x33: {  	p0 =	seq.s32 s10, $0x1;
	s10 =	sld [smem:$0x3FB4];
	_ =	sdelay $0x3  }
0x34: {  	[smem:$0x3FB4] =	sst s10  }
0x35: {  	s10 =	sld [smem:$0x3FB3];
	_ =	sdelay $0x3  }
0x36: {  	p1 =	seq.s32 s10, $0x1;
	s10 =	sld [smem:$0x3FB4];
	_ =	sdelay $0x3  }
0x37: {  	[smem:$0x3FB4] =	sst s10  }
0x38: {  	s10 =	sld [smem:$0x3FB5]  }
0x39: {  	_ = 	snop;
	(pc) =	sbr.ind lr, $3  }
0x3a: {  	_ = 	snop  }
0x3b: {  	_ = 	snop  }
0x3c: {  	p2 =	seq.s32 s10, $0x1;
	s10 =	sld [smem:$0x3FB4]  }
0x3d: {  	_ =	shalt  }
0x3e: {  	_ =	shalt  }
0x3f: {  	_ =	shalt  }
0x40: {  	_ =	shalt  }
0x41: {  	_ =	shalt  }
0x42: {  	_ =	shalt  }
0x43: {  	_ =	shalt  }
0x44: {  	_ =	shalt  }
0x45: {  	_ =	shalt  }
0x46: {  	_ =	shalt  }
0x47: {  	_ =	shalt  }
0x48: {  	_ =	shalt  }
0x49: {  	_ =	shalt  }
0x4a: {  	_ =	shalt  }
0x4b: {  	_ =	shalt  }
0x4c: {  	_ =	shalt  }
0x4d: {  	_ =	shalt  }
0x4e: {  	_ =	shalt  }
0x4f: {  	_ =	shalt  }
0x50: {  	_ =	shalt  }
0x51: {  	_ =	shalt  }
0x52: {  	_ =	shalt  }
0x53: {  	_ =	shalt  }
0x54: {  	_ =	shalt  }
0x55: {  	_ =	shalt  }
0x56: {  	_ =	shalt  }
0x57: {  	_ =	shalt  }
0x58: {  	_ =	shalt  }
0x59: {  	_ =	shalt  }
0x5a: {  	_ =	shalt  }
0x5b: {  	_ =	shalt  }
0x5c: {  	_ =	shalt  }
0x5d: {  	_ =	shalt  }
0x5e: {  	_ =	shalt  }
0x5f: {  	_ =	shalt  }
0x60: {  	_ =	shalt  }
0x61: {  	_ =	shalt  }
0x62: {  	_ =	shalt  }
0x63: {  	_ =	shalt  }
0x64: {  	_ =	shalt  }
0x65: {  	_ =	shalt  }
0x66: {  	_ =	shalt  }
0x67: {  	_ =	shalt  }
0x68: {  	_ =	shalt  }
0x69: {  	_ =	shalt  }
0x6a: {  	_ =	shalt  }
0x6b: {  	_ =	shalt  }
0x6c: {  	_ =	shalt  }
0x6d: {  	_ =	shalt  }
0x6e: {  	_ =	shalt  }
0x6f: {  	_ =	shalt  }
0x70: {  	_ =	shalt  }
0x71: {  	_ =	shalt  }
0x72: {  	_ =	shalt  }
0x73: {  	_ =	shalt  }
0x74: {  	_ =	shalt  }
0x75: {  	_ =	shalt  }
0x76: {  	_ =	shalt  }
0x77: {  	_ =	shalt  }
0x78: {  	_ =	shalt  }
0x79: {  	_ =	shalt  }
0x7a: {  	_ =	shalt  }
0x7b: {  	_ =	shalt  }
0x7c: {  	_ =	shalt  }
0x7d: {  	_ =	shalt  }
0x7e: {  	_ =	shalt  }
0x7f: {  	_ =	shalt  }
0x80: {  	_ =	shalt  }
0x81: {  	_ =	shalt  }
0x82: {  	_ =	shalt  }
0x83: {  	_ =	shalt  }
0x84: {  	_ =	shalt  }
0x85: {  	_ =	shalt  }
0x86: {  	_ =	shalt  }
0x87: {  	_ =	shalt  }
.Lfunc_end0:
.L_simem_size_0:
called_computation.1_lowered:
.L_overlay_start_0:
0x88: {  	s2 =	sld [smem:$0x3FD9]  }
0x89: {  	s3 =	sld [smem:$0x3FFE];
	_ =	sdelay $0x1  }
0x8a: {  	s1 =	srdreg.scid  }
0x8b: {  	s0 =	sand.u32 $0x1, s1  }
0x8c: {  	s17 =	sshll.u32 s0, $0xA;
	s2 =	sadd.s32 s3, s2  }
0x8d: {  	s2 =	sadd.s32 s2, s17  }
0x8e: {  	[smem:$0x3FC0] =	sst s2  }
0x8f: {  	_ = 	snop  }
0x90: {  	(tm) =	ssettm $0x1  }
0x91: {  	s18 =	sld [smem:$0x3FFB];
	_ =	sdelay $0x3  }
0x92: {  	_ =	strace s18  }
0x93: {  	s2 =	sld [smem:$0x3FFC];
	_ =	sdelay $0x3  }
0x94: {  	_ =	strace s2  }
0x95: {  	s2 =	sld [smem:$0x3FFD];
	_ =	sdelay $0x3  }
0x96: {  	_ =	strace s2  }
0x97: {  	_ =	strace $0x8FFFFFFF  }
0x98: {  	s19 =	sld [smem:$0x3FDB];
	_ =	sdelay $0x1  }
0x99: {  	s20 =	simm.s32 $_scs_section_size  }
0x9a: {  	s4 =	simm.s32 $_size__tile_overlayer_lowered;
	s5 =	simm.s32 $_tile_overlayer_lowered  }
0x9b: {  	s6 =	simm.s32 $0x1BFF;
	s21 =	sshll.u32 s5, $0x1;
	s3 =	sadd.s32 s20, s19  }
0x9c: {  	s22 =	simm.s32 $0x0;
	s4 =	sshll.u32 s4, $0x1;
	s5 =	sadd.s32 s21, s3  }
0x9d: {  	[timem:s22], [sflag:s6] =	dma.local [hbm:s5], s4  }
0x9e: {  	_ =	swait.ge [sflag:s6], s4  }
0x9f: {  	s4 =	ssub.s32 $0x0, s4;
	[sflag:s6] =	ssyncset.done $0x0  }
0xa0: {  	[sflag:s6] =	ssyncadd.s32 s4;
	_ =	sdelay $0x1  }
0xa1: {  	s23 =	simm.s32 $0x1B8B  }
0xa2: {  	_ =	swait.ge [sflag:s23], $0x1  }
0xa3: {  	[sflag:s23] =	ssyncset.done $0x0  }
0xa4: {  	[sflag:s23] =	ssyncadd.s32 $0xFFFFFFFF  }
0xa5: {  	s4 =	sld [smem:$0x0]  }
0xa6: {  	s5 =	sand.u32 $0xFFFFFFFE, s1  }
0xa7: {  	p0 =	sne.s32 s1, s5  }
0xa8: {  	s5 =	sshll.u32 @p0 s5, $0xE  }
0xa9: {  	s5 =	sadd.s32 @p0 $0x11B8D, s5;
	s6 =	sshll.u32 @p0 s4, $0x11  }
0xaa: {  	s5 =	sor.u32 @p0 s6, s5  }
0xab: {  	[sflag:s5] =	ssyncadd.remote.s32 @p0 $0x1;
	_ =	sdelay $0x1  }
0xac: {  	s5 =	simm.s32 @p0 $0x1B8D  }
0xad: {  	_ =	swait.eq @p0 [sflag:s5], $0x1  }
0xae: {  	[sflag:s5] =	ssyncadd.s32 @p0 $0xFFFFFFFF  }
0xaf: {  	s6 =	sshll.u32 @!p0 s1, $0xE  }
0xb0: {  	s6 =	sor.u32 @!p0 $0x4000, s6;
	s5 =	simm.s32 @!p0 $0x1B8D  }
0xb1: {  	s4 =	sshll.u32 @!p0 s4, $0x11;
	s6 =	sadd.s32 @!p0 $0x11B8D, s6;
	_ =	swait.eq @!p0 [sflag:s5], $0x1  }
0xb2: {  	s4 =	sor.u32 @!p0 s4, s6;
	[sflag:s5] =	ssyncadd.s32 @!p0 $0xFFFFFFFF  }
0xb3: {  	s25 =	simm.s32 $0x1B8E;
	s24 =	sld [smem:$0x3FFE];
	[sflag:s4] =	ssyncadd.remote.s32 @!p0 $0x1  }
0xb4: {  	s26 =	simm.s32 $execute0_lowered;
	[smem:$0x3FD2] =	sst s25  }
0xb5: {  	s5 =	sshll.u32 s26, $0x1;
	_ =	strace $0x80000049;
	[dreg:$0x1] =	wrdreg $0xFFFFFFFF  }
0xb6: {  	s28 =	simm.s32 $_size_execute0_lowered;
	s3 =	sadd.s32 s3, s5;
	[dreg:$0x0] =	wrdreg $0x0  }
0xb7: {  	s5 =	sshll.u32 s28, $0x1;
	[dreg:$0x2] =	wrdreg s3  }
0xb8: {  	[dreg:$0x3] =	wrdreg s5  }
0xb9: {  	[dreg:$0x4] =	wrdreg $0xC0  }
0xba: {  	_ =	task [dreg:s22], $0x5FFFF  }
0xbb: {  	[dreg:$0x1] =	wrdreg $0xFFFFFFFF  }
0xbc: {  	[dreg:$0x0] =	wrdreg $0x60  }
0xbd: {  	[dreg:$0x2] =	wrdreg s24  }
0xbe: {  	[dreg:$0x3] =	wrdreg $0x0  }
0xbf: {  	[dreg:$0x4] =	wrdreg $0x9  }
0xc0: {  	_ =	task.clear_ibuf [dreg:s22], $0x5FFFF;
	_ =	strace $0x90000049  }
0xc1: {  	s29 =	simm.s32 $0x9;
	_ =	strace $0x8000004B  }
0xc2: {  	_ =	swait.ge [sflag:s29], $0x1  }
0xc3: {  	[sflag:s29] =	ssyncadd.s32 $0xFFFFFFFF  }
0xc4: {  	_ =	strace $0x9000004B  }
0xc5: {  	_ =	sfence  }
0xc6: {  	s30 =	sld [smem:$0x0];
	_ =	sdelay $0x2  }
0xc7: {  	s31 =	sshll.u32 s1, $0xD;
	s1 =	sshrl.u32 s1, $0x2  }
0xc8: {  	s4 =	sand.u32 $0x4000, s31;
	s1 =	sadd.s32 s1, s30  }
0xc9: {  	s0 =	sor.u32 s4, s0;
	s1 =	sshll.u32 s1, $0x11  }
0xca: {  	s0 =	sor.u32 s1, s0  }
0xcb: {  	s0 =	sadd.s32 $0x8F2B, s0  }
0xcc: {  	[sflag:s0] =	ssyncadd.remote.s32 $0x1  }
0xcd: {  	_ =	sfence.sel $0xFFFF  }
0xce: {  	[dreg:$0x0] =	wrdreg $0xFFFFFFFF;
	(pc) =	sbr.abs _section_cstart, $3  }
0xcf: {  	[dreg:$0x1] =	wrdreg $0xFFFFFFFF  }
0xd0: {  	_ =	task.clear_ibuf [dreg:s22], $0x2FFFF;
	_ =	strace $0x9FFFFFFF  }
0xd1: {  	(tm) =	ssettm $0x7FFFFFFF  }
tec
execute0_lowered:
.L_overlay_start_1:
0x0: {  	(tag) =	ssettag $0x1  }
0x1: {  	s0 =	srdreg.scid;
	s6 =	rddreg [dreg:$0x0]  }
0x2: {  	s2 =	rddreg [dreg:$0x1];
	s3 =	simm.s32 $0x0;
	s11 =	simm.s32 $0x16400  }
0x3: {  	s14 =	simm.s32 $0x80;
	s15 =	simm.s32 $0x1;
	s5 =	sand.u32 $0x1, s0  }
0x4: {  	s16 =	simm.s32 $0x0;
	s0 =	stileid.u32;
	s7 =	smul.u32 $0x13C000, s5  }
0x5: {  	[smem:$0x7FF] =	sst s3;
	s1 =	sshll.u32 s5, $0x4;
	s8 =	smul.u32 $0x13C00, s0  }
0x6: {  	s29 =	ssub.s32 $0x2, s5;
	s10 =	smul.u32 $0x4F000, s0;
	s5 =	sadd.s32 $0x18200, s6  }
0x7: {  	s12 =	sshll.u32 s0, $0x6;
	s1 =	sor.u32 s0, s1;
	s30 =	sshrl.u32 s29, $0x1  }
0x8: {  	s12 =	sor.u32 $0x1C02, s12;
	s4 =	smul.u32 $0x500, s1;
	s1 =	rddreg [dreg:$0x2]  }
0x9: {  	_ =	strace $0x8000004A;
	s7 =	sadd.s32 s8, s7;
	s8 =	ssub.s32 s29, s30  }
0xa: {  	s31 =	sshrl.u32 s10, $0x2;
	s10 =	simm.s32 $0x2;
	s7 =	sshrl.u32 s7, $0x3  }
0xb: {  	s13 =	sadd.s32 s31, s2;
	s8 =	smax.u32 s8, $0x1;
	s9 =	sadd.s32 s4, s6  }
0xc: {  	s4 =	sadd.s32 $0x17A00, s6;
	s7 =	sadd.s32 s7, s6;
	s13 =	sshrl.u32 s13, $0x3  }
0xd: {  	s6 =	sadd.s32 $0xDA00, s9;
	s7 =	sadd.s32 $0x69A00, s7;
	s9 =	simm.s32 $0x13C00  }
.LBB2_1:
0xe: {  	[tilespmem:s9], [sflag:$0x2] =	stream.linear.gather [hbm4b:s6+s3], $0x2800, $0x38;
	[tilespmem:$0x1A400] =	vst v63  }
0xf: {  	_ =	swait.ge [sflag:s10], $0x2800  }
0x10: {  	[sflag:s10] =	ssyncset.done $0x0  }
0x11: {  	[sflag:s10] =	ssyncadd.s32 $0xFFFFD800  }
0x12: {  	[tilespmem:s11], [sflag:$0x2] =	stream.linear.gather [hbm4b:s4+s3], $0x4000, $0x38;
	[tilespmem:$0x1A400] =	vst v63  }
0x13: {  	_ =	swait.ge [sflag:s10], $0x4000  }
0x14: {  	[sflag:s10] =	ssyncset.done $0x0  }
0x15: {  	[sflag:s10] =	ssyncadd.s32 $0xFFFFC000  }
0x16: {  	[spmem:s13], [sflag:s12] =	dma.local [hbm:s5], $0x2780  }
0x17: {  	_ =	swait.ge [sflag:s10], $0x2780  }
0x18: {  	[sflag:s10] =	ssyncset.done $0x0  }
0x19: {  	[sflag:s10] =	ssyncadd.s32 $0xFFFFD880  }
0x1a: {  	s17 =	simm.s32 $0x0;
	[bflag:$0x0] =	sbarrier.arrive $0xFFFF  }
.LBB2_2:
0x1b: {  	p0 =	sne.s32 s17, $0x9E00  }
.Ltmp0:
0x1c: {  	_ = 	snop;
	(pc) =	sbr.rel @p0 .LBB2_2-.Ltmp0, $4  }
0x1d: {  	_ = 	snop  }
0x1e: {  	s18 =	sshra.s32 s17, $0x2  }
0x1f: {  	s17 =	sadd.s32 $0x200, s17;
	s18 =	sadd.s32 $0x13C00, s18  }
0x20: {  	[spmem:s2] =	stream.indirect.scatter.add.f32 [tilespmem:s11], [sflag:$0x1], $0x80, s18, s14, $0xb8;
	[tilespmem:$0x1A400] =	vst v63  }
0x21: {  	_ =	swait.ge [sflag:s15], $0x4000  }
0x22: {  	s17 =	simm.s32 $0x4F;
	[sflag:s15] =	ssyncset.done $0x0  }
.LBB2_4:
0x23: {  	p0 =	sne.s32 s17, $0x1;
	s17 =	sadd.s32 $0xFFFFFFFF, s17;
	[sflag:s15] =	ssyncadd.s32 $0xFFFFC000  }
.Ltmp1:
0x24: {  	(pc) =	sbr.rel @p0 .LBB2_4-.Ltmp1, $3  }
0x25: {  	_ =	sdelay $0x1  }
0x26: {  	_ =	swait.ge [sflag:s15], $0x4000  }
0x27: {  	[sflag:s15] =	ssyncset.done $0x0  }
0x28: {  	s16 =	sadd.s32 $0x1, s16  }
0x29: {  	[sflag:s15] =	ssyncadd.s32 $0xFFFFC000;
	p0 =	sne.s32 s16, s8  }
.Ltmp2:
0x2a: {  	[bflag:$0x0] =	sbarrier.arrive $0xFFFF;
	(pc) =	sbr.rel @p0 .LBB2_1-.Ltmp2, $4  }
0x2b: {  	[hbm:s7], [sflag:s12] =	dma.local [spmem:s13], $0x2780  }
0x2c: {  	_ =	swait.ge [sflag:s10], $0x2780  }
0x2d: {  	[sflag:s10] =	ssyncset.done $0x0  }
0x2e: {  	[sflag:s10] =	ssyncadd.s32 $0xFFFFD880  }
0x2f: {  	_ =	sfence.sel $0x180000  }
0x30: {  	[bflag:$0x0] =	sbarrier.arrive $0xFFFF  }
0x31: {  	p0 =	sne.s32 s0, $0x0;
	_ =	strace $0x9000004A  }
0x32: {  	s0 =	sadd.s32 @!p0 $0x100000, s1;
	[bflag:$0x2] =	sbarrier.arrive $0xFFFF  }
0x33: {  	[sflag:s0] =	ssyncadd.tile.s32 @!p0 $0x1;
	_ =	shalt  }
.Lfunc_end2:
_tile_overlayer_lowered:
.L_overlay_start_2:
0x34: {  	(tag) =	ssettag $0x2  }
0x35: {  	s0 =	rddreg [dreg:$0x0];
	s2 =	stileid.u32  }
0x36: {  	s1 =	rddreg [dreg:$0x1];
	p0 =	sne.s32 s2, $0x0  }
0x37: {  	s3 =	rddreg [dreg:$0x2];
	[bflag:$0x3] =	sbarrier.arrive $0xFFFF;
	s2 =	simm.s32 @!p0 $0x1C02  }
0x38: {  	[timem:s3], [sflag:s2] =	dma.local @!p0 [hbm:s0], s1  }
0x39: {  	s0 =	simm.s32 @!p0 $0x2  }
0x3a: {  	_ =	swait.ge @!p0 [sflag:s0], s1  }
0x3b: {  	s1 =	ssub.s32 @!p0 $0x0, s1;
	[sflag:s0] =	ssyncset.done @!p0 $0x0  }
0x3c: {  	[sflag:s0] =	ssyncadd.s32 @!p0 s1  }
0x3d: {  	[bflag:$0x3] =	sbarrier.arrive $0xFFFF  }
0x3e: {  	_ =	shalt  }

// kernel: kernel.17.cloned.1.call-start
scs
__scs_entry_jumppad:
0x0: {  	(pc) =	sbr.rel $0x88, $3  }
0x1: {  	(tag) =	ssettag $0x0;
	lr =	simm.s32 $0x1  }
0x2: {  	[smem:$0x3F99] =	sst lr;
	_ =	strace $0xD0000000  }
0x3: {  	_ = 	snop  }
0x4: {  	_ = 	snop  }
0x5: {  	_ = 	snop  }
0x6: {  	_ = 	snop  }
0x7: {  	_ = 	snop  }
__scs_overlays_trampoline_lowered:
0x8: {  	[smem:$0x3FA8] =	sst s0  }
0x9: {  	[smem:$0x3FA9] =	sst s1  }
0xa: {  	[smem:$0x3FAA] =	sst s2  }
0xb: {  	[smem:$0x3FAB] =	sst s3  }
0xc: {  	[smem:$0x3FAC] =	sst s4  }
0xd: {  	[smem:$0x3FAD] =	sst s5  }
0xe: {  	[smem:$0x3FAE] =	sst s6  }
0xf: {  	[smem:$0x3FAF] =	sst s7  }
0x10: {  	[smem:$0x3FB0] =	sst s8  }
0x11: {  	[smem:$0x3FB1] =	sst s9;
	s0 =	simm.s32 @!p0 $0x0  }
0x12: {  	s1 =	sld [smem:$0x3F97];
	s0 =	simm.s32 @p0 $0x1  }
0x13: {  	[smem:$0x3FB2] =	sst s0;
	s0 =	simm.s32 @!p1 $0x0  }
0x14: {  	s2 =	sld [smem:$0x3F96];
	s0 =	simm.s32 @p1 $0x1  }
0x15: {  	[smem:$0x3FB3] =	sst s0;
	s0 =	simm.s32 @!p2 $0x0  }
0x16: {  	s3 =	sld [smem:$0x3FDB];
	s0 =	simm.s32 @p2 $0x1  }
0x17: {  	s4 =	simm.s32 $0x1BF5;
	[smem:$0x3FB5] =	sst s0  }
0x18: {  	s0 =	sld [smem:$0x3F98];
	_ =	swait.ge [sflag:s4], $0x0  }
0x19: {  	s7 =	sld [smem:$0x3F99]  }
0x1a: {  	s8 =	sadd.s32 $0xFFFFE003, lr  }
0x1b: {  	s9 =	sadd.s32 $0xFFFFFEF7, lr;
	s5 =	simm.s32 $0xFFFFFFFF;
	p2 =	slt.u32 s8, $0xFFFFF086  }
0x1c: {  	p1 =	slt.u32 s9, $0xF7A;
	s5 =	simm.s32 @!p2 $0x0  }
0x1d: {  	s5 =	simm.s32 @p1 $0x1;
	p0 =	seq.s32 s7, s2  }
0x1e: {  	s7 =	smul.u32 @!p0 $0xF7A, s2;
	p2 =	seq.s32 @!p0 s5, $0x0  }
0x1f: {  	s9 =	smul.u32 $0xF7A, s1;
	s8 =	simm.s32 @!p0 $0x1BF5;
	p2 =	por !p2, p0  }
0x20: {  	[sflag:s8] =	ssyncset.s32 @!p0 $0xFFFFF086;
	s6 =	sadd.s32 @!p0 s3, s7;
	s7 =	simm.s32 @!p0 $0x108  }
0x21: {  	s3 =	sadd.s32 s3, s9;
	s6 =	sadd.s32 @!p0 $0x88, s6;
	s7 =	simm.s32 @p2 $0x1082  }
0x22: {  	[simem:s7], [sflag:s8] =	dma.local @!p0 [hbm:s6], $0xF7A  }
0x23: {  	s9 =	sor.u32 $0xD0000000, s2;
	s6 =	simm.s32 $0x108;
	_ =	swait.ge @!p0 [sflag:s8], $0x0  }
0x24: {  	s3 =	sadd.s32 $0x88, s3;
	s6 =	simm.s32 @!p1 $0x1082;
	[sflag:s4] =	ssyncset.s32 $0xFFFFF086  }
0x25: {  	[simem:s6], [sflag:s4] =	dma.local [hbm:s3], $0xF7A  }
0x26: {  	[smem:$0x3F99] =	sst s1;
	(tag) =	ssettag s2;
	_ =	strace s9  }
0x27: {  	s1 =	sld [smem:$0x3FA9]  }
0x28: {  	s2 =	sld [smem:$0x3FAA]  }
0x29: {  	s4 =	sld [smem:$0x3FAC]  }
0x2a: {  	p0 =	seq.s32 s5, $0x0;
	s5 =	sld [smem:$0x3FAD]  }
0x2b: {  	s6 =	sld [smem:$0x3FAE]  }
0x2c: {  	s7 =	sld [smem:$0x3FAF]  }
0x2d: {  	s3 =	simm.s32 $0x108;
	s8 =	sld [smem:$0x3FB0]  }
0x2e: {  	s3 =	simm.s32 @!p0 $0x1082;
	s9 =	sld [smem:$0x3FB1]  }
0x2f: {  	lr =	sadd.s32 s0, s3;
	s0 =	sld [smem:$0x3FA8]  }
0x30: {  	s3 =	sld [smem:$0x3FAB]  }
0x31: {  	[smem:$0x3FB4] =	sst s10  }
0x32: {  	s10 =	sld [smem:$0x3FB2];
	_ =	sdelay $0x3  }
0x33: {  	p0 =	seq.s32 s10, $0x1;
	s10 =	sld [smem:$0x3FB4];
	_ =	sdelay $0x3  }
0x34: {  	[smem:$0x3FB4] =	sst s10  }
0x35: {  	s10 =	sld [smem:$0x3FB3];
	_ =	sdelay $0x3  }
0x36: {  	p1 =	seq.s32 s10, $0x1;
	s10 =	sld [smem:$0x3FB4];
	_ =	sdelay $0x3  }
0x37: {  	[smem:$0x3FB4] =	sst s10  }
0x38: {  	s10 =	sld [smem:$0x3FB5]  }
0x39: {  	_ = 	snop;
	(pc) =	sbr.ind lr, $3  }
0x3a: {  	_ = 	snop  }
0x3b: {  	_ = 	snop  }
0x3c: {  	p2 =	seq.s32 s10, $0x1;
	s10 =	sld [smem:$0x3FB4]  }
0x3d: {  	_ =	shalt  }
0x3e: {  	_ =	shalt  }
0x3f: {  	_ =	shalt  }
0x40: {  	_ =	shalt  }
0x41: {  	_ =	shalt  }
0x42: {  	_ =	shalt  }
0x43: {  	_ =	shalt  }
0x44: {  	_ =	shalt  }
0x45: {  	_ =	shalt  }
0x46: {  	_ =	shalt  }
0x47: {  	_ =	shalt  }
0x48: {  	_ =	shalt  }
0x49: {  	_ =	shalt  }
0x4a: {  	_ =	shalt  }
0x4b: {  	_ =	shalt  }
0x4c: {  	_ =	shalt  }
0x4d: {  	_ =	shalt  }
0x4e: {  	_ =	shalt  }
0x4f: {  	_ =	shalt  }
0x50: {  	_ =	shalt  }
0x51: {  	_ =	shalt  }
0x52: {  	_ =	shalt  }
0x53: {  	_ =	shalt  }
0x54: {  	_ =	shalt  }
0x55: {  	_ =	shalt  }
0x56: {  	_ =	shalt  }
0x57: {  	_ =	shalt  }
0x58: {  	_ =	shalt  }
0x59: {  	_ =	shalt  }
0x5a: {  	_ =	shalt  }
0x5b: {  	_ =	shalt  }
0x5c: {  	_ =	shalt  }
0x5d: {  	_ =	shalt  }
0x5e: {  	_ =	shalt  }
0x5f: {  	_ =	shalt  }
0x60: {  	_ =	shalt  }
0x61: {  	_ =	shalt  }
0x62: {  	_ =	shalt  }
0x63: {  	_ =	shalt  }
0x64: {  	_ =	shalt  }
0x65: {  	_ =	shalt  }
0x66: {  	_ =	shalt  }
0x67: {  	_ =	shalt  }
0x68: {  	_ =	shalt  }
0x69: {  	_ =	shalt  }
0x6a: {  	_ =	shalt  }
0x6b: {  	_ =	shalt  }
0x6c: {  	_ =	shalt  }
0x6d: {  	_ =	shalt  }
0x6e: {  	_ =	shalt  }
0x6f: {  	_ =	shalt  }
0x70: {  	_ =	shalt  }
0x71: {  	_ =	shalt  }
0x72: {  	_ =	shalt  }
0x73: {  	_ =	shalt  }
0x74: {  	_ =	shalt  }
0x75: {  	_ =	shalt  }
0x76: {  	_ =	shalt  }
0x77: {  	_ =	shalt  }
0x78: {  	_ =	shalt  }
0x79: {  	_ =	shalt  }
0x7a: {  	_ =	shalt  }
0x7b: {  	_ =	shalt  }
0x7c: {  	_ =	shalt  }
0x7d: {  	_ =	shalt  }
0x7e: {  	_ =	shalt  }
0x7f: {  	_ =	shalt  }
0x80: {  	_ =	shalt  }
0x81: {  	_ =	shalt  }
0x82: {  	_ =	shalt  }
0x83: {  	_ =	shalt  }
0x84: {  	_ =	shalt  }
0x85: {  	_ =	shalt  }
0x86: {  	_ =	shalt  }
0x87: {  	_ =	shalt  }
.Lfunc_end0:
.L_simem_size_0:
called_computation.2_lowered:
.L_overlay_start_0:
0x88: {  	s2 =	sld [smem:$0x3FD9]  }
0x89: {  	s3 =	sld [smem:$0x3FFE];
	_ =	sdelay $0x1  }
0x8a: {  	s1 =	srdreg.scid  }
0x8b: {  	s0 =	sand.u32 $0x1, s1  }
0x8c: {  	s17 =	sshll.u32 s0, $0xA;
	s2 =	sadd.s32 s3, s2  }
0x8d: {  	s2 =	sadd.s32 s2, s17  }
0x8e: {  	[smem:$0x3FC0] =	sst s2  }
0x8f: {  	_ = 	snop  }
0x90: {  	s18 =	sld [smem:$0x3FD0];
	(tm) =	ssettm $0x1  }
0x91: {  	s19 =	sld [smem:$0x3FFB];
	_ =	sdelay $0x3  }
0x92: {  	_ =	strace s19  }
0x93: {  	s2 =	sld [smem:$0x3FFC];
	_ =	sdelay $0x3  }
0x94: {  	_ =	strace s2  }
0x95: {  	s2 =	sld [smem:$0x3FFD];
	_ =	sdelay $0x3  }
0x96: {  	_ =	strace s2  }
0x97: {  	_ =	strace $0x8FFFFFFF  }
0x98: {  	s20 =	sld [smem:$0x3FDB];
	_ =	sdelay $0x1  }
0x99: {  	s4 =	simm.s32 $_scs_section_size  }
0x9a: {  	s5 =	simm.s32 $_size__tile_overlayer_lowered;
	s6 =	simm.s32 $_tile_overlayer_lowered  }
0x9b: {  	s7 =	simm.s32 $0x1BFF;
	s21 =	sshll.u32 s6, $0x1;
	s4 =	sadd.s32 s4, s20  }
0x9c: {  	s22 =	simm.s32 $0x0;
	s5 =	sshll.u32 s5, $0x1;
	s6 =	sadd.s32 s21, s4  }
0x9d: {  	[timem:s22], [sflag:s7] =	dma.local [hbm:s6], s5  }
0x9e: {  	_ =	swait.ge [sflag:s7], s5  }
0x9f: {  	s5 =	ssub.s32 $0x0, s5;
	[sflag:s7] =	ssyncset.done $0x0  }
0xa0: {  	[sflag:s7] =	ssyncadd.s32 s5;
	_ =	sdelay $0x1  }
0xa1: {  	s23 =	simm.s32 $0x1B8B  }
0xa2: {  	_ =	swait.ge [sflag:s23], $0x1  }
0xa3: {  	[sflag:s23] =	ssyncset.done $0x0  }
0xa4: {  	[sflag:s23] =	ssyncadd.s32 $0xFFFFFFFF  }
0xa5: {  	s5 =	sld [smem:$0x0]  }
0xa6: {  	s6 =	sand.u32 $0xFFFFFFFE, s1  }
0xa7: {  	p0 =	sne.s32 s1, s6  }
0xa8: {  	s6 =	sshll.u32 @p0 s6, $0xE  }
0xa9: {  	s6 =	sadd.s32 @p0 $0x11B8D, s6;
	s7 =	sshll.u32 @p0 s5, $0x11  }
0xaa: {  	s6 =	sor.u32 @p0 s7, s6  }
0xab: {  	[sflag:s6] =	ssyncadd.remote.s32 @p0 $0x1;
	_ =	sdelay $0x1  }
0xac: {  	s6 =	simm.s32 @p0 $0x1B8D  }
0xad: {  	_ =	swait.eq @p0 [sflag:s6], $0x1  }
0xae: {  	[sflag:s6] =	ssyncadd.s32 @p0 $0xFFFFFFFF  }
0xaf: {  	s7 =	sshll.u32 @!p0 s1, $0xE  }
0xb0: {  	s7 =	sor.u32 @!p0 $0x4000, s7;
	s6 =	simm.s32 @!p0 $0x1B8D  }
0xb1: {  	s5 =	sshll.u32 @!p0 s5, $0x11;
	s7 =	sadd.s32 @!p0 $0x11B8D, s7;
	_ =	swait.eq @!p0 [sflag:s6], $0x1  }
0xb2: {  	s5 =	sor.u32 @!p0 s5, s7;
	[sflag:s6] =	ssyncadd.s32 @!p0 $0xFFFFFFFF  }
0xb3: {  	s25 =	simm.s32 $0x1B8E;
	s24 =	sld [smem:$0x3FFE];
	[sflag:s5] =	ssyncadd.remote.s32 @!p0 $0x1  }
0xb4: {  	s26 =	simm.s32 $execute0_lowered;
	[smem:$0x3FD2] =	sst s25  }
0xb5: {  	s6 =	sshll.u32 s26, $0x1;
	_ =	strace $0x8000004C;
	[dreg:$0x1] =	wrdreg $0xFFFFFFFF  }
0xb6: {  	s28 =	simm.s32 $_size_execute0_lowered;
	s4 =	sadd.s32 s4, s6;
	[dreg:$0x0] =	wrdreg $0x0  }
0xb7: {  	s6 =	sshll.u32 s28, $0x1;
	[dreg:$0x2] =	wrdreg s4  }
0xb8: {  	[dreg:$0x3] =	wrdreg s6  }
0xb9: {  	[dreg:$0x4] =	wrdreg $0xC0  }
0xba: {  	_ =	task [dreg:s22], $0x5FFFF  }
0xbb: {  	[dreg:$0x1] =	wrdreg $0xFFFFFFFF  }
0xbc: {  	[dreg:$0x0] =	wrdreg $0x60  }
0xbd: {  	[dreg:$0x2] =	wrdreg s24  }
0xbe: {  	[dreg:$0x3] =	wrdreg s18  }
0xbf: {  	[dreg:$0x4] =	wrdreg $0x0  }
0xc0: {  	[dreg:$0x5] =	wrdreg $0xA  }
0xc1: {  	_ =	task.clear_ibuf [dreg:s22], $0x6FFFF;
	_ =	strace $0x9000004C  }
0xc2: {  	s29 =	simm.s32 $0xA;
	_ =	strace $0x8000004E  }
0xc3: {  	_ =	swait.ge [sflag:s29], $0x1  }
0xc4: {  	[sflag:s29] =	ssyncadd.s32 $0xFFFFFFFF  }
0xc5: {  	_ =	strace $0x9000004E  }
0xc6: {  	_ =	sfence  }
0xc7: {  	s30 =	sld [smem:$0x0];
	_ =	sdelay $0x2  }
0xc8: {  	s31 =	sshll.u32 s1, $0xD;
	s1 =	sshrl.u32 s1, $0x2  }
0xc9: {  	s4 =	sand.u32 $0x4000, s31;
	s1 =	sadd.s32 s1, s30  }
0xca: {  	s0 =	sor.u32 s4, s0;
	s1 =	sshll.u32 s1, $0x11  }
0xcb: {  	s0 =	sor.u32 s1, s0  }
0xcc: {  	s0 =	sadd.s32 $0x8F2B, s0  }
0xcd: {  	[sflag:s0] =	ssyncadd.remote.s32 $0x1  }
0xce: {  	_ =	sfence.sel $0xFFFF  }
0xcf: {  	[dreg:$0x0] =	wrdreg $0xFFFFFFFF;
	(pc) =	sbr.abs _section_cstart, $3  }
0xd0: {  	[dreg:$0x1] =	wrdreg $0xFFFFFFFF  }
0xd1: {  	_ =	task.clear_ibuf [dreg:s22], $0x2FFFF;
	_ =	strace $0x9FFFFFFF  }
0xd2: {  	(tm) =	ssettm $0x7FFFFFFF  }
0xd3: {  	_ =	shalt  }
tec
execute0_lowered:
.L_overlay_start_1:
0x0: {  	(tag) =	ssettag $0x1  }
0x1: {  	s6 =	rddreg [dreg:$0x0]  }
0x2: {  	s11 =	rddreg [dreg:$0x1];
	s0 =	srdreg.scid  }
0x3: {  	s2 =	rddreg [dreg:$0x2];
	s1 =	stileid.u32;
	s3 =	simm.s32 $0x0  }
0x4: {  	s16 =	simm.s32 $0x15000;
	s17 =	simm.s32 $0x80;
	s18 =	simm.s32 $0x16400  }
0x5: {  	s19 =	simm.s32 $0x2;
	s20 =	simm.s32 $0x1A400;
	s21 =	simm.s32 $0x4  }
0x6: {  	s22 =	simm.s32 $0x1;
	s23 =	simm.s32 $0x16380;
	s24 =	simm.s32 $0x13C80  }
0x7: {  	s25 =	simm.s32 $0x0;
	s7 =	sand.u32 $0x1, s0;
	s0 =	rddreg [dreg:$0x3]  }
0x8: {  	s8 =	smul.u32 $0x13C00, s1;
	[smem:$0x7FF] =	sst s3;
	s4 =	sadd.s32 $0xB8A00, s6  }
0x9: {  	s12 =	sadd.s32 $0xDA00, s6;
	s10 =	smul.u32 $0x4F000, s1;
	s13 =	sshll.u32 s1, $0x6  }
0xa: {  	s5 =	smul.u32 $0x13C000, s7;
	s9 =	ssub.s32 $0x2, s7;
	s7 =	sshll.u32 s7, $0x4  }
0xb: {  	_ =	strace $0x8000004D;
	s30 =	sshrl.u32 s9, $0x1;
	s7 =	sor.u32 s1, s7  }
0xc: {  	s10 =	sshrl.u32 s10, $0x2;
	s8 =	sadd.s32 s8, s5;
	s5 =	sadd.s32 $0x18200, s6  }
0xd: {  	s14 =	smul.u32 $0x2800, s7;
	s9 =	ssub.s32 s9, s30;
	s8 =	sshrl.u32 s8, $0x3  }
.Ltmp0:
0xe: {  	s15 =	sadd.s32 s10, s2;
	s8 =	sadd.s32 s8, s6;
	(pc) =	sbr.rel .LBB2_1-.Ltmp0, $4  }
0xf: {  	s6 =	sor.u32 $0x1C03, s13;
	s31 =	sshrl.u32 s14, $0x3;
	s14 =	simm.s32 $0x3  }
0x10: {  	s7 =	sadd.s32 $0xDFC00, s8;
	s8 =	smax.u32 s9, $0x1;
	s13 =	sadd.s32 $0x280, s31  }
0x11: {  	s9 =	sadd.s32 s11, s31;
	s10 =	sadd.s32 s12, s31;
	s11 =	sadd.s32 s11, s13  }
0x12: {  	s12 =	sadd.s32 s12, s13;
	s13 =	sshrl.u32 s15, $0x3;
	s15 =	simm.s32 $0x13C00  }
.LBB2_13:
0x13: {  	_ =	swait.ge [sflag:s19], $0x4000  }
0x14: {  	[sflag:s19] =	ssyncset.done $0x0  }
0x15: {  	[sflag:s19] =	ssyncadd.s32 $0xFFFFC000  }
0x16: {  	[spmem:s2] =	stream.indirect.scatter.add.f32 [tilespmem:s20], [sflag:$0x4], $0x80, s23, s17, $0xb8;
	[tilespmem:$0x1E400] =	vst v63  }
0x17: {  	_ =	swait.ge [sflag:s21], $0x4000  }
0x18: {  	s25 =	sadd.s32 $0x1, s25;
	[sflag:s21] =	ssyncset.done $0x0  }
0x19: {  	p0 =	sne.s32 s25, s8;
	[sflag:s21] =	ssyncadd.s32 $0xFFFFC000  }
.Ltmp1:
0x1a: {  	[bflag:$0x0] =	sbarrier.arrive $0xFFFF;
	(pc) =	sbr.rel @!p0 .LBB2_14-.Ltmp1, $4  }
0x1b: {  	[hbm:s7], [sflag:s6] =	dma.local [spmem:s13], $0x2780  }
0x1c: {  	_ =	swait.ge [sflag:s14], $0x2780  }
0x1d: {  	[sflag:s14] =	ssyncset.done $0x0  }
0x1e: {  	[sflag:s14] =	ssyncadd.s32 $0xFFFFD880  }
.LBB2_1:
0x1f: {  	[spmem:s13], [sflag:s6] =	dma.local [hbm:s5], $0x2780  }
0x20: {  	_ =	swait.ge [sflag:s14], $0x2780  }
0x21: {  	[sflag:s14] =	ssyncset.done $0x0  }
0x22: {  	[sflag:s14] =	ssyncadd.s32 $0xFFFFD880  }
0x23: {  	[bflag:$0x0] =	sbarrier.arrive $0xFFFF  }
0x24: {  	[tilespmem:s15], [sflag:$0x3] =	stream.linear.gather [hbm4b:s9+s3], $0x1400, $0x38;
	[tilespmem:$0x1E400] =	vst v63  }
0x25: {  	_ =	swait.ge [sflag:s14], $0x1400  }
0x26: {  	[sflag:s14] =	ssyncset.done $0x0  }
.Ltmp2:
0x27: {  	[sflag:s14] =	ssyncadd.s32 $0xFFFFEC00;
	(pc) =	sbr.rel .LBB2_2-.Ltmp2, $4  }
0x28: {  	[tilespmem:s16], [sflag:$0x3] =	stream.linear.gather [hbm4b:s10+s3], $0x1400, $0x38;
	[tilespmem:$0x1E400] =	vst v63  }
0x29: {  	_ =	swait.ge [sflag:s14], $0x1400  }
0x2a: {  	[sflag:s14] =	ssyncset.done $0x0  }
0x2b: {  	s26 =	simm.s32 $0x1;
	s28 =	simm.s32 $0x0;
	[sflag:s14] =	ssyncadd.s32 $0xFFFFEC00  }
.LBB2_3:
0x2c: {  	[tilespmem:s20], [sflag:$0x2] =	stream.indirect.gather [hbm4b:s4+s17], $0x80, s24, s17, $0xb8;
	[tilespmem:$0x1E400] =	vst v63  }
.LBB2_5:
0x2d: {  	_ =	swait.ge [sflag:s22], $0x4000  }
0x2e: {  	[sflag:s22] =	ssyncset.done $0x0  }
0x2f: {  	s29 =	sadd.s32 $0x15000, s29;
	[sflag:s22] =	ssyncadd.s32 $0xFFFFC000  }
0x30: {  	[spmem:s2] =	stream.indirect.scatter.add.f32 [tilespmem:s18], [sflag:$0x3], $0x80, s29, s17, $0xb8;
	[tilespmem:$0x1E400] =	vst v63  }
0x31: {  	_ =	swait.ge [sflag:s14], $0x4000  }
0x32: {  	[sflag:s14] =	ssyncset.done $0x0  }
0x33: {  	[sflag:s14] =	ssyncadd.s32 $0xFFFFC000  }
.LBB2_6:
0x34: {  	s28 =	sadd.s32 $0x400, s28  }
0x35: {  	p0 =	sne.s32 s28, $0x5000  }
.Ltmp3:
0x36: {  	_ = 	snop;
	(pc) =	sbr.rel @!p0 .LBB2_7-.Ltmp3, $2  }
0x37: {  	_ =	sdelay $0x2  }
0x38: {  	s26 =	sadd.s32 $0x2, s26  }
.LBB2_2:
0x39: {  	s31 =	sadd.s32 $0xFFFFFFFD, s26  }
0x3a: {  	p0 =	slt.u32 s31, $0x28  }
.Ltmp4:
0x3b: {  	_ = 	snop;
	(pc) =	sbr.rel @!p0 .LBB2_3-.Ltmp4, $4  }
0x3c: {  	_ = 	snop  }
0x3d: {  	s29 =	sshra.s32 s28, $0x2  }
0x3e: {  	s30 =	sadd.s32 $0x13C00, s29  }
0x3f: {  	[tilespmem:s18], [sflag:$0x1] =	stream.indirect.gather [hbm4b:s4+s17], $0x80, s30, s17, $0xb8;
	[tilespmem:$0x1E400] =	vst v63  }
0x40: {  	_ =	swait.ge [sflag:s19], $0x4000  }
0x41: {  	[sflag:s19] =	ssyncset.done $0x0  }
0x42: {  	s30 =	sadd.s32 $0x14F80, s29;
	p0 =	sgt.u32 s26, $0x28;
	[sflag:s19] =	ssyncadd.s32 $0xFFFFC000  }
0x43: {  	[spmem:s2] =	stream.indirect.scatter.add.f32 [tilespmem:s20], [sflag:$0x4], $0x80, s30, s17, $0xb8;
	[tilespmem:$0x1E400] =	vst v63  }
.Ltmp5:
0x44: {  	_ = 	snop;
	(pc) =	sbr.rel @p0 .LBB2_6-.Ltmp5, $4  }
.Ltmp6:
0x45: {  	_ =	swait.ge [sflag:s21], $0x4000;
	(pc) =	sbr.rel @!p0 .LBB2_5-.Ltmp6, $4  }
0x46: {  	[sflag:s21] =	ssyncset.done $0x0  }
0x47: {  	s31 =	sadd.s32 $0x13C80, s29;
	[sflag:s21] =	ssyncadd.s32 $0xFFFFC000  }
0x48: {  	[tilespmem:s20], [sflag:$0x2] =	stream.indirect.gather [hbm4b:s4+s17], $0x80, s31, s17, $0xb8;
	[tilespmem:$0x1E400] =	vst v63  }
0x49: {  	_ = 	snop  }
.LBB2_7:
0x4a: {  	_ =	swait.ge [sflag:s19], $0x4000  }
0x4b: {  	[sflag:s19] =	ssyncset.done $0x0  }
0x4c: {  	[sflag:s19] =	ssyncadd.s32 $0xFFFFC000  }
0x4d: {  	[spmem:s2] =	stream.indirect.scatter.add.f32 [tilespmem:s20], [sflag:$0x4], $0x80, s23, s17, $0xb8;
	[tilespmem:$0x1E400] =	vst v63  }
0x4e: {  	_ =	swait.ge [sflag:s21], $0x4000  }
0x4f: {  	[sflag:s21] =	ssyncset.done $0x0  }
0x50: {  	s26 =	simm.s32 $0x0;
	[sflag:s21] =	ssyncadd.s32 $0xFFFFC000  }
0x51: {  	[tilespmem:s15], [sflag:$0x3] =	stream.linear.gather [hbm4b:s11+s26], $0x1400, $0x38;
	[tilespmem:$0x1E400] =	vst v63  }
0x52: {  	_ =	swait.ge [sflag:s14], $0x1400  }
0x53: {  	[sflag:s14] =	ssyncset.done $0x0  }
.Ltmp7:
0x54: {  	[sflag:s14] =	ssyncadd.s32 $0xFFFFEC00;
	(pc) =	sbr.rel .LBB2_8-.Ltmp7, $4  }
0x55: {  	[tilespmem:s16], [sflag:$0x3] =	stream.linear.gather [hbm4b:s12+s26], $0x1400, $0x38;
	[tilespmem:$0x1E400] =	vst v63  }
0x56: {  	_ =	swait.ge [sflag:s14], $0x1400  }
0x57: {  	[sflag:s14] =	ssyncset.done $0x0  }
0x58: {  	s28 =	simm.s32 $0x1;
	[sflag:s14] =	ssyncadd.s32 $0xFFFFEC00  }
.LBB2_9:
0x59: {  	[tilespmem:s20], [sflag:$0x2] =	stream.indirect.gather [hbm4b:s4+s17], $0x80, s24, s17, $0xb8;
	[tilespmem:$0x1E400] =	vst v63  }
.LBB2_11:
0x5a: {  	_ =	swait.ge [sflag:s22], $0x4000  }
0x5b: {  	[sflag:s22] =	ssyncset.done $0x0  }
0x5c: {  	s29 =	sadd.s32 $0x15000, s29;
	[sflag:s22] =	ssyncadd.s32 $0xFFFFC000  }
0x5d: {  	[spmem:s2] =	stream.indirect.scatter.add.f32 [tilespmem:s18], [sflag:$0x3], $0x80, s29, s17, $0xb8;
	[tilespmem:$0x1E400] =	vst v63  }
0x5e: {  	_ =	swait.ge [sflag:s14], $0x4000  }
0x5f: {  	[sflag:s14] =	ssyncset.done $0x0  }
0x60: {  	[sflag:s14] =	ssyncadd.s32 $0xFFFFC000  }
.LBB2_12:
0x61: {  	s26 =	sadd.s32 $0x400, s26  }
0x62: {  	p0 =	sne.s32 s26, $0x5000  }
.Ltmp8:
0x63: {  	_ = 	snop;
	(pc) =	sbr.rel @!p0 .LBB2_13-.Ltmp8, $2  }
0x64: {  	_ =	sdelay $0x2  }
0x65: {  	s28 =	sadd.s32 $0x2, s28  }
.LBB2_8:
0x66: {  	s31 =	sadd.s32 $0xFFFFFFFD, s28  }
0x67: {  	p0 =	slt.u32 s31, $0x28  }
.Ltmp9:
0x68: {  	_ = 	snop;
	(pc) =	sbr.rel @!p0 .LBB2_9-.Ltmp9, $4  }
0x69: {  	_ = 	snop  }
0x6a: {  	s29 =	sshra.s32 s26, $0x2  }
0x6b: {  	s30 =	sadd.s32 $0x13C00, s29  }
0x6c: {  	[tilespmem:s18], [sflag:$0x1] =	stream.indirect.gather [hbm4b:s4+s17], $0x80, s30, s17, $0xb8;
	[tilespmem:$0x1E400] =	vst v63  }
0x6d: {  	_ =	swait.ge [sflag:s19], $0x4000  }
0x6e: {  	[sflag:s19] =	ssyncset.done $0x0  }
0x6f: {  	s30 =	sadd.s32 $0x14F80, s29;
	p0 =	sgt.u32 s28, $0x28;
	[sflag:s19] =	ssyncadd.s32 $0xFFFFC000  }
0x70: {  	[spmem:s2] =	stream.indirect.scatter.add.f32 [tilespmem:s20], [sflag:$0x4], $0x80, s30, s17, $0xb8;
	[tilespmem:$0x1E400] =	vst v63  }
.Ltmp10:
0x71: {  	_ = 	snop;
	(pc) =	sbr.rel @p0 .LBB2_12-.Ltmp10, $4  }
.Ltmp11:
0x72: {  	_ =	swait.ge [sflag:s21], $0x4000;
	(pc) =	sbr.rel @!p0 .LBB2_11-.Ltmp11, $4  }
0x73: {  	[sflag:s21] =	ssyncset.done $0x0  }
0x74: {  	s31 =	sadd.s32 $0x13C80, s29;
	[sflag:s21] =	ssyncadd.s32 $0xFFFFC000  }
0x75: {  	[tilespmem:s20], [sflag:$0x2] =	stream.indirect.gather [hbm4b:s4+s17], $0x80, s31, s17, $0xb8;
	[tilespmem:$0x1E400] =	vst v63  }
0x76: {  	_ = 	snop  }
.LBB2_14:
0x77: {  	_ =	sfence.sel $0x180000  }
0x78: {  	[bflag:$0x0] =	sbarrier.arrive $0xFFFF  }
0x79: {  	p0 =	sne.s32 s1, $0x0;
	_ =	strace $0x9000004D  }
0x7a: {  	s0 =	sadd.s32 @!p0 $0x100000, s0;
	[bflag:$0x2] =	sbarrier.arrive $0xFFFF  }
0x7b: {  	[sflag:s0] =	ssyncadd.tile.s32 @!p0 $0x1;
	_ =	shalt  }
.Lfunc_end2:
_tile_overlayer_lowered:
.L_overlay_start_2:
0x7c: {  	(tag) =	ssettag $0x2  }
0x7d: {  	s0 =	rddreg [dreg:$0x0];
	s2 =	stileid.u32  }
0x7e: {  	s1 =	rddreg [dreg:$0x1];
	p0 =	sne.s32 s2, $0x0  }
0x7f: {  	s3 =	rddreg [dreg:$0x2];
	[bflag:$0x3] =	sbarrier.arrive $0xFFFF;
	s2 =	simm.s32 @!p0 $0x1C03  }
0x80: {  	[timem:s3], [sflag:s2] =	dma.local @!p0 [hbm:s0], s1  }
0x81: {  	s0 =	simm.s32 @!p0 $0x3  }
0x82: {  	_ =	swait.ge @!p0 [sflag:s0], s1  }
0x83: {  	s1 =	ssub.s32 @!p0 $0x0, s1;
	[sflag:s0] =	ssyncset.done @!p0 $0x0  }
0x84: {  	[sflag:s0] =	ssyncadd.s32 @!p0 s1  }
0x85: {  	[bflag:$0x3] =	sbarrier.arrive $0xFFFF  }
0x86: {  	_ =	shalt  }

// kernel: kernel.20.cloned.1.call-start
scs
__scs_entry_jumppad:
0x0: {  	(pc) =	sbr.rel $0x88, $3  }
0x1: {  	(tag) =	ssettag $0x0;
	lr =	simm.s32 $0x1  }
0x2: {  	[smem:$0x3F99] =	sst lr;
	_ =	strace $0xD0000000  }
0x3: {  	_ = 	snop  }
0x4: {  	_ = 	snop  }
0x5: {  	_ = 	snop  }
0x6: {  	_ = 	snop  }
0x7: {  	_ = 	snop  }
__scs_overlays_trampoline_lowered:
0x8: {  	[smem:$0x3FA8] =	sst s0  }
0x9: {  	[smem:$0x3FA9] =	sst s1  }
0xa: {  	[smem:$0x3FAA] =	sst s2  }
0xb: {  	[smem:$0x3FAB] =	sst s3  }
0xc: {  	[smem:$0x3FAC] =	sst s4  }
0xd: {  	[smem:$0x3FAD] =	sst s5  }
0xe: {  	[smem:$0x3FAE] =	sst s6  }
0xf: {  	[smem:$0x3FAF] =	sst s7  }
0x10: {  	[smem:$0x3FB0] =	sst s8  }
0x11: {  	[smem:$0x3FB1] =	sst s9;
	s0 =	simm.s32 @!p0 $0x0  }
0x12: {  	s1 =	sld [smem:$0x3F97];
	s0 =	simm.s32 @p0 $0x1  }
0x13: {  	[smem:$0x3FB2] =	sst s0;
	s0 =	simm.s32 @!p1 $0x0  }
0x14: {  	s2 =	sld [smem:$0x3F96];
	s0 =	simm.s32 @p1 $0x1  }
0x15: {  	[smem:$0x3FB3] =	sst s0;
	s0 =	simm.s32 @!p2 $0x0  }
0x16: {  	s3 =	sld [smem:$0x3FDB];
	s0 =	simm.s32 @p2 $0x1  }
0x17: {  	s4 =	simm.s32 $0x1BF5;
	[smem:$0x3FB5] =	sst s0  }
0x18: {  	s0 =	sld [smem:$0x3F98];
	_ =	swait.ge [sflag:s4], $0x0  }
0x19: {  	s7 =	sld [smem:$0x3F99]  }
0x1a: {  	s8 =	sadd.s32 $0xFFFFE003, lr  }
0x1b: {  	s9 =	sadd.s32 $0xFFFFFEF7, lr;
	s5 =	simm.s32 $0xFFFFFFFF;
	p2 =	slt.u32 s8, $0xFFFFF086  }
0x1c: {  	p1 =	slt.u32 s9, $0xF7A;
	s5 =	simm.s32 @!p2 $0x0  }
0x1d: {  	s5 =	simm.s32 @p1 $0x1;
	p0 =	seq.s32 s7, s2  }
0x1e: {  	s7 =	smul.u32 @!p0 $0xF7A, s2;
	p2 =	seq.s32 @!p0 s5, $0x0  }
0x1f: {  	s9 =	smul.u32 $0xF7A, s1;
	s8 =	simm.s32 @!p0 $0x1BF5;
	p2 =	por !p2, p0  }
0x20: {  	[sflag:s8] =	ssyncset.s32 @!p0 $0xFFFFF086;
	s6 =	sadd.s32 @!p0 s3, s7;
	s7 =	simm.s32 @!p0 $0x108  }
0x21: {  	s3 =	sadd.s32 s3, s9;
	s6 =	sadd.s32 @!p0 $0x88, s6;
	s7 =	simm.s32 @p2 $0x1082  }
0x22: {  	[simem:s7], [sflag:s8] =	dma.local @!p0 [hbm:s6], $0xF7A  }
0x23: {  	s9 =	sor.u32 $0xD0000000, s2;
	s6 =	simm.s32 $0x108;
	_ =	swait.ge @!p0 [sflag:s8], $0x0  }
0x24: {  	s3 =	sadd.s32 $0x88, s3;
	s6 =	simm.s32 @!p1 $0x1082;
	[sflag:s4] =	ssyncset.s32 $0xFFFFF086  }
0x25: {  	[simem:s6], [sflag:s4] =	dma.local [hbm:s3], $0xF7A  }
0x26: {  	[smem:$0x3F99] =	sst s1;
	(tag) =	ssettag s2;
	_ =	strace s9  }
0x27: {  	s1 =	sld [smem:$0x3FA9]  }
0x28: {  	s2 =	sld [smem:$0x3FAA]  }
0x29: {  	s4 =	sld [smem:$0x3FAC]  }
0x2a: {  	p0 =	seq.s32 s5, $0x0;
	s5 =	sld [smem:$0x3FAD]  }
0x2b: {  	s6 =	sld [smem:$0x3FAE]  }
0x2c: {  	s7 =	sld [smem:$0x3FAF]  }
0x2d: {  	s3 =	simm.s32 $0x108;
	s8 =	sld [smem:$0x3FB0]  }
0x2e: {  	s3 =	simm.s32 @!p0 $0x1082;
	s9 =	sld [smem:$0x3FB1]  }
0x2f: {  	lr =	sadd.s32 s0, s3;
	s0 =	sld [smem:$0x3FA8]  }
0x30: {  	s3 =	sld [smem:$0x3FAB]  }
0x31: {  	[smem:$0x3FB4] =	sst s10  }
0x32: {  	s10 =	sld [smem:$0x3FB2];
	_ =	sdelay $0x3  }
0x33: {  	p0 =	seq.s32 s10, $0x1;
	s10 =	sld [smem:$0x3FB4];
	_ =	sdelay $0x3  }
0x34: {  	[smem:$0x3FB4] =	sst s10  }
0x35: {  	s10 =	sld [smem:$0x3FB3];
	_ =	sdelay $0x3  }
0x36: {  	p1 =	seq.s32 s10, $0x1;
	s10 =	sld [smem:$0x3FB4];
	_ =	sdelay $0x3  }
0x37: {  	[smem:$0x3FB4] =	sst s10  }
0x38: {  	s10 =	sld [smem:$0x3FB5]  }
0x39: {  	_ = 	snop;
	(pc) =	sbr.ind lr, $3  }
0x3a: {  	_ = 	snop  }
0x3b: {  	_ = 	snop  }
0x3c: {  	p2 =	seq.s32 s10, $0x1;
	s10 =	sld [smem:$0x3FB4]  }
0x3d: {  	_ =	shalt  }
0x3e: {  	_ =	shalt  }
0x3f: {  	_ =	shalt  }
0x40: {  	_ =	shalt  }
0x41: {  	_ =	shalt  }
0x42: {  	_ =	shalt  }
0x43: {  	_ =	shalt  }
0x44: {  	_ =	shalt  }
0x45: {  	_ =	shalt  }
0x46: {  	_ =	shalt  }
0x47: {  	_ =	shalt  }
0x48: {  	_ =	shalt  }
0x49: {  	_ =	shalt  }
0x4a: {  	_ =	shalt  }
0x4b: {  	_ =	shalt  }
0x4c: {  	_ =	shalt  }
0x4d: {  	_ =	shalt  }
0x4e: {  	_ =	shalt  }
0x4f: {  	_ =	shalt  }
0x50: {  	_ =	shalt  }
0x51: {  	_ =	shalt  }
0x52: {  	_ =	shalt  }
0x53: {  	_ =	shalt  }
0x54: {  	_ =	shalt  }
0x55: {  	_ =	shalt  }
0x56: {  	_ =	shalt  }
0x57: {  	_ =	shalt  }
0x58: {  	_ =	shalt  }
0x59: {  	_ =	shalt  }
0x5a: {  	_ =	shalt  }
0x5b: {  	_ =	shalt  }
0x5c: {  	_ =	shalt  }
0x5d: {  	_ =	shalt  }
0x5e: {  	_ =	shalt  }
0x5f: {  	_ =	shalt  }
0x60: {  	_ =	shalt  }
0x61: {  	_ =	shalt  }
0x62: {  	_ =	shalt  }
0x63: {  	_ =	shalt  }
0x64: {  	_ =	shalt  }
0x65: {  	_ =	shalt  }
0x66: {  	_ =	shalt  }
0x67: {  	_ =	shalt  }
0x68: {  	_ =	shalt  }
0x69: {  	_ =	shalt  }
0x6a: {  	_ =	shalt  }
0x6b: {  	_ =	shalt  }
0x6c: {  	_ =	shalt  }
0x6d: {  	_ =	shalt  }
0x6e: {  	_ =	shalt  }
0x6f: {  	_ =	shalt  }
0x70: {  	_ =	shalt  }
0x71: {  	_ =	shalt  }
0x72: {  	_ =	shalt  }
0x73: {  	_ =	shalt  }
0x74: {  	_ =	shalt  }
0x75: {  	_ =	shalt  }
0x76: {  	_ =	shalt  }
0x77: {  	_ =	shalt  }
0x78: {  	_ =	shalt  }
0x79: {  	_ =	shalt  }
0x7a: {  	_ =	shalt  }
0x7b: {  	_ =	shalt  }
0x7c: {  	_ =	shalt  }
0x7d: {  	_ =	shalt  }
0x7e: {  	_ =	shalt  }
0x7f: {  	_ =	shalt  }
0x80: {  	_ =	shalt  }
0x81: {  	_ =	shalt  }
0x82: {  	_ =	shalt  }
0x83: {  	_ =	shalt  }
0x84: {  	_ =	shalt  }
0x85: {  	_ =	shalt  }
0x86: {  	_ =	shalt  }
0x87: {  	_ =	shalt  }
.Lfunc_end0:
.L_simem_size_0:
called_computation.3_lowered:
.L_overlay_start_0:
0x88: {  	s2 =	sld [smem:$0x3FD9]  }
0x89: {  	s3 =	sld [smem:$0x3FFE];
	_ =	sdelay $0x1  }
0x8a: {  	s1 =	srdreg.scid  }
0x8b: {  	s0 =	sand.u32 $0x1, s1  }
0x8c: {  	s17 =	sshll.u32 s0, $0xA;
	s2 =	sadd.s32 s3, s2  }
0x8d: {  	s2 =	sadd.s32 s2, s17  }
0x8e: {  	[smem:$0x3FC0] =	sst s2  }
0x8f: {  	_ = 	snop  }
0x90: {  	s2 =	sld [smem:$0x3FD0];
	(tm) =	ssettm $0x1  }
0x91: {  	s18 =	sld [smem:$0x3FFB];
	_ =	sdelay $0x3  }
0x92: {  	_ =	strace s18  }
0x93: {  	s3 =	sld [smem:$0x3FFC];
	_ =	sdelay $0x3  }
0x94: {  	_ =	strace s3  }
0x95: {  	s3 =	sld [smem:$0x3FFD];
	_ =	sdelay $0x3  }
0x96: {  	_ =	strace s3  }
0x97: {  	_ =	strace $0x8FFFFFFF  }
0x98: {  	s19 =	sld [smem:$0x3FDB];
	_ =	sdelay $0x1  }
0x99: {  	s4 =	simm.s32 $_scs_section_size  }
0x9a: {  	s5 =	simm.s32 $_size__tile_overlayer_lowered;
	s6 =	simm.s32 $_tile_overlayer_lowered  }
0x9b: {  	s22 =	simm.s32 $0x1BFF;
	s21 =	sshll.u32 s6, $0x1;
	s3 =	sadd.s32 s4, s19  }
0x9c: {  	s7 =	simm.s32 $0x0;
	s20 =	sshll.u32 s5, $0x1;
	s5 =	sadd.s32 s21, s3  }
0x9d: {  	[timem:s7], [sflag:s22] =	dma.local [hbm:s5], s20  }
0x9e: {  	_ =	swait.ge [sflag:s22], s20  }
0x9f: {  	s4 =	ssub.s32 $0x0, s20;
	[sflag:s22] =	ssyncset.done $0x0  }
0xa0: {  	[sflag:s22] =	ssyncadd.s32 s4;
	_ =	sdelay $0x1  }
0xa1: {  	s23 =	simm.s32 $0x1B8B  }
0xa2: {  	_ =	swait.ge [sflag:s23], $0x1  }
0xa3: {  	[sflag:s23] =	ssyncset.done $0x0  }
0xa4: {  	s25 =	simm.s32 $0x1B8E;
	s24 =	sld [smem:$0x3FFE];
	[sflag:s23] =	ssyncadd.s32 $0xFFFFFFFF  }
0xa5: {  	s26 =	simm.s32 $execute0_lowered;
	[smem:$0x3FD2] =	sst s25  }
0xa6: {  	s5 =	sshll.u32 s26, $0x1;
	_ =	strace $0x8000004F;
	[dreg:$0x1] =	wrdreg $0xFFFFFFFF  }
0xa7: {  	s28 =	simm.s32 $_size_execute0_lowered;
	s3 =	sadd.s32 s3, s5;
	[dreg:$0x0] =	wrdreg $0x0  }
0xa8: {  	s5 =	sshll.u32 s28, $0x1;
	[dreg:$0x2] =	wrdreg s3  }
0xa9: {  	[dreg:$0x3] =	wrdreg s5  }
0xaa: {  	[dreg:$0x4] =	wrdreg $0xC0  }
0xab: {  	_ =	task [dreg:s7], $0x5FFFF  }
0xac: {  	[dreg:$0x1] =	wrdreg $0xFFFFFFFF  }
0xad: {  	[dreg:$0x0] =	wrdreg $0x60  }
0xae: {  	[dreg:$0x2] =	wrdreg s24  }
0xaf: {  	[dreg:$0x3] =	wrdreg s2  }
0xb0: {  	[dreg:$0x4] =	wrdreg $0x0  }
0xb1: {  	[dreg:$0x5] =	wrdreg $0x9  }
0xb2: {  	_ =	task.clear_ibuf [dreg:s7], $0x6FFFF;
	_ =	strace $0x9000004F  }
0xb3: {  	s29 =	simm.s32 $0x9;
	_ =	strace $0x80000051  }
0xb4: {  	_ =	swait.ge [sflag:s29], $0x1  }
0xb5: {  	[sflag:s29] =	ssyncadd.s32 $0xFFFFFFFF  }
0xb6: {  	_ =	strace $0x90000051  }
0xb7: {  	_ =	sfence  }
0xb8: {  	s30 =	sld [smem:$0x0];
	_ =	sdelay $0x2  }
0xb9: {  	s31 =	sshll.u32 s1, $0xD;
	s1 =	sshrl.u32 s1, $0x2  }
0xba: {  	s3 =	sand.u32 $0x4000, s31;
	s1 =	sadd.s32 s1, s30  }
0xbb: {  	s0 =	sor.u32 s3, s0;
	s1 =	sshll.u32 s1, $0x11  }
0xbc: {  	s0 =	sor.u32 s1, s0  }
0xbd: {  	s0 =	sadd.s32 $0x8F2B, s0  }
0xbe: {  	[sflag:s0] =	ssyncadd.remote.s32 $0x1  }
0xbf: {  	_ =	sfence.sel $0xFFFF  }
0xc0: {  	[dreg:$0x0] =	wrdreg $0xFFFFFFFF;
	(pc) =	sbr.abs _section_cstart, $3  }
0xc1: {  	[dreg:$0x1] =	wrdreg $0xFFFFFFFF  }
0xc2: {  	_ =	task.clear_ibuf [dreg:s7], $0x2FFFF;
	_ =	strace $0x9FFFFFFF  }
0xc3: {  	(tm) =	ssettm $0x7FFFFFFF  }
tec
execute0_lowered:
.L_overlay_start_1:
0x0: {  	(tag) =	ssettag $0x1  }
0x1: {  	s6 =	rddreg [dreg:$0x0]  }
0x2: {  	s11 =	rddreg [dreg:$0x1];
	s0 =	srdreg.scid  }
0x3: {  	s2 =	rddreg [dreg:$0x2];
	s1 =	stileid.u32;
	s3 =	simm.s32 $0x0  }
0x4: {  	s16 =	simm.s32 $0x15000;
	s17 =	simm.s32 $0x80;
	s18 =	simm.s32 $0x16400  }
0x5: {  	s19 =	simm.s32 $0x2;
	s20 =	simm.s32 $0x1A400;
	s21 =	simm.s32 $0x4  }
0x6: {  	s22 =	simm.s32 $0x1;
	s23 =	simm.s32 $0x16380;
	s24 =	simm.s32 $0x13C80  }
0x7: {  	s25 =	simm.s32 $0x0;
	s7 =	sand.u32 $0x1, s0;
	s0 =	rddreg [dreg:$0x3]  }
0x8: {  	s8 =	smul.u32 $0x13C00, s1;
	[smem:$0x7FF] =	sst s3;
	s4 =	sadd.s32 $0x42200, s6  }
0x9: {  	s12 =	sadd.s32 $0xDA00, s6;
	s10 =	smul.u32 $0x4F000, s1;
	s13 =	sshll.u32 s1, $0x6  }
0xa: {  	s5 =	smul.u32 $0x13C000, s7;
	s9 =	ssub.s32 $0x2, s7;
	s7 =	sshll.u32 s7, $0x4  }
0xb: {  	_ =	strace $0x80000050;
	s30 =	sshrl.u32 s9, $0x1;
	s7 =	sor.u32 s1, s7  }
0xc: {  	s10 =	sshrl.u32 s10, $0x2;
	s8 =	sadd.s32 s8, s5;
	s5 =	sadd.s32 $0x18200, s6  }
0xd: {  	s14 =	smul.u32 $0x2800, s7;
	s9 =	ssub.s32 s9, s30;
	s8 =	sshrl.u32 s8, $0x3  }
.Ltmp0:
0xe: {  	s15 =	sadd.s32 s10, s2;
	s8 =	sadd.s32 s8, s6;
	(pc) =	sbr.rel .LBB2_1-.Ltmp0, $4  }
0xf: {  	s6 =	sor.u32 $0x1C03, s13;
	s31 =	sshrl.u32 s14, $0x3;
	s14 =	simm.s32 $0x3  }
0x10: {  	s7 =	sadd.s32 $0x69A00, s8;
	s8 =	smax.u32 s9, $0x1;
	s13 =	sadd.s32 $0x280, s31  }
0x11: {  	s9 =	sadd.s32 s11, s31;
	s10 =	sadd.s32 s12, s31;
	s11 =	sadd.s32 s11, s13  }
0x12: {  	s12 =	sadd.s32 s12, s13;
	s13 =	sshrl.u32 s15, $0x3;
	s15 =	simm.s32 $0x13C00  }
.LBB2_13:
0x13: {  	_ =	swait.ge [sflag:s19], $0x4000  }
0x14: {  	[sflag:s19] =	ssyncset.done $0x0  }
0x15: {  	[sflag:s19] =	ssyncadd.s32 $0xFFFFC000  }
0x16: {  	[spmem:s2] =	stream.indirect.scatter.add.f32 [tilespmem:s20], [sflag:$0x4], $0x80, s23, s17, $0xb8;
	[tilespmem:$0x1E400] =	vst v63  }
0x17: {  	_ =	swait.ge [sflag:s21], $0x4000  }
0x18: {  	s25 =	sadd.s32 $0x1, s25;
	[sflag:s21] =	ssyncset.done $0x0  }
0x19: {  	p0 =	sne.s32 s25, s8;
	[sflag:s21] =	ssyncadd.s32 $0xFFFFC000  }
.Ltmp1:
0x1a: {  	[bflag:$0x0] =	sbarrier.arrive $0xFFFF;
	(pc) =	sbr.rel @!p0 .LBB2_14-.Ltmp1, $4  }
0x1b: {  	[hbm:s7], [sflag:s6] =	dma.local [spmem:s13], $0x2780  }
0x1c: {  	_ =	swait.ge [sflag:s14], $0x2780  }
0x1d: {  	[sflag:s14] =	ssyncset.done $0x0  }
0x1e: {  	[sflag:s14] =	ssyncadd.s32 $0xFFFFD880  }
.LBB2_1:
0x1f: {  	[spmem:s13], [sflag:s6] =	dma.local [hbm:s5], $0x2780  }
0x20: {  	_ =	swait.ge [sflag:s14], $0x2780  }
0x21: {  	[sflag:s14] =	ssyncset.done $0x0  }
0x22: {  	[sflag:s14] =	ssyncadd.s32 $0xFFFFD880  }
0x23: {  	[bflag:$0x0] =	sbarrier.arrive $0xFFFF  }
0x24: {  	[tilespmem:s15], [sflag:$0x3] =	stream.linear.gather [hbm4b:s9+s3], $0x1400, $0x38;
	[tilespmem:$0x1E400] =	vst v63  }
0x25: {  	_ =	swait.ge [sflag:s14], $0x1400  }
0x26: {  	[sflag:s14] =	ssyncset.done $0x0  }
.Ltmp2:
0x27: {  	[sflag:s14] =	ssyncadd.s32 $0xFFFFEC00;
	(pc) =	sbr.rel .LBB2_2-.Ltmp2, $4  }
0x28: {  	[tilespmem:s16], [sflag:$0x3] =	stream.linear.gather [hbm4b:s10+s3], $0x1400, $0x38;
	[tilespmem:$0x1E400] =	vst v63  }
0x29: {  	_ =	swait.ge [sflag:s14], $0x1400  }
0x2a: {  	[sflag:s14] =	ssyncset.done $0x0  }
0x2b: {  	s26 =	simm.s32 $0x1;
	s28 =	simm.s32 $0x0;
	[sflag:s14] =	ssyncadd.s32 $0xFFFFEC00  }
.LBB2_3:
0x2c: {  	[tilespmem:s20], [sflag:$0x2] =	stream.indirect.gather [hbm4b:s4+s17], $0x80, s24, s17, $0xb8;
	[tilespmem:$0x1E400] =	vst v63  }
.LBB2_5:
0x2d: {  	_ =	swait.ge [sflag:s22], $0x4000  }
0x2e: {  	[sflag:s22] =	ssyncset.done $0x0  }
0x2f: {  	s29 =	sadd.s32 $0x15000, s29;
	[sflag:s22] =	ssyncadd.s32 $0xFFFFC000  }
0x30: {  	[spmem:s2] =	stream.indirect.scatter.add.f32 [tilespmem:s18], [sflag:$0x3], $0x80, s29, s17, $0xb8;
	[tilespmem:$0x1E400] =	vst v63  }
0x31: {  	_ =	swait.ge [sflag:s14], $0x4000  }
0x32: {  	[sflag:s14] =	ssyncset.done $0x0  }
0x33: {  	[sflag:s14] =	ssyncadd.s32 $0xFFFFC000  }
.LBB2_6:
0x34: {  	s28 =	sadd.s32 $0x400, s28  }
0x35: {  	p0 =	sne.s32 s28, $0x5000  }
.Ltmp3:
0x36: {  	_ = 	snop;
	(pc) =	sbr.rel @!p0 .LBB2_7-.Ltmp3, $2  }
0x37: {  	_ =	sdelay $0x2  }
0x38: {  	s26 =	sadd.s32 $0x2, s26  }
.LBB2_2:
0x39: {  	s31 =	sadd.s32 $0xFFFFFFFD, s26  }
0x3a: {  	p0 =	slt.u32 s31, $0x28  }
.Ltmp4:
0x3b: {  	_ = 	snop;
	(pc) =	sbr.rel @!p0 .LBB2_3-.Ltmp4, $4  }
0x3c: {  	_ = 	snop  }
0x3d: {  	s29 =	sshra.s32 s28, $0x2  }
0x3e: {  	s30 =	sadd.s32 $0x13C00, s29  }
0x3f: {  	[tilespmem:s18], [sflag:$0x1] =	stream.indirect.gather [hbm4b:s4+s17], $0x80, s30, s17, $0xb8;
	[tilespmem:$0x1E400] =	vst v63  }
0x40: {  	_ =	swait.ge [sflag:s19], $0x4000  }
0x41: {  	[sflag:s19] =	ssyncset.done $0x0  }
0x42: {  	s30 =	sadd.s32 $0x14F80, s29;
	p0 =	sgt.u32 s26, $0x28;
	[sflag:s19] =	ssyncadd.s32 $0xFFFFC000  }
0x43: {  	[spmem:s2] =	stream.indirect.scatter.add.f32 [tilespmem:s20], [sflag:$0x4], $0x80, s30, s17, $0xb8;
	[tilespmem:$0x1E400] =	vst v63  }
.Ltmp5:
0x44: {  	_ = 	snop;
	(pc) =	sbr.rel @p0 .LBB2_6-.Ltmp5, $4  }
.Ltmp6:
0x45: {  	_ =	swait.ge [sflag:s21], $0x4000;
	(pc) =	sbr.rel @!p0 .LBB2_5-.Ltmp6, $4  }
0x46: {  	[sflag:s21] =	ssyncset.done $0x0  }
0x47: {  	s31 =	sadd.s32 $0x13C80, s29;
	[sflag:s21] =	ssyncadd.s32 $0xFFFFC000  }
0x48: {  	[tilespmem:s20], [sflag:$0x2] =	stream.indirect.gather [hbm4b:s4+s17], $0x80, s31, s17, $0xb8;
	[tilespmem:$0x1E400] =	vst v63  }
0x49: {  	_ = 	snop  }
.LBB2_7:
0x4a: {  	_ =	swait.ge [sflag:s19], $0x4000  }
0x4b: {  	[sflag:s19] =	ssyncset.done $0x0  }
0x4c: {  	[sflag:s19] =	ssyncadd.s32 $0xFFFFC000  }
0x4d: {  	[spmem:s2] =	stream.indirect.scatter.add.f32 [tilespmem:s20], [sflag:$0x4], $0x80, s23, s17, $0xb8;
	[tilespmem:$0x1E400] =	vst v63  }
0x4e: {  	_ =	swait.ge [sflag:s21], $0x4000  }
0x4f: {  	[sflag:s21] =	ssyncset.done $0x0  }
0x50: {  	s26 =	simm.s32 $0x0;
	[sflag:s21] =	ssyncadd.s32 $0xFFFFC000  }
0x51: {  	[tilespmem:s15], [sflag:$0x3] =	stream.linear.gather [hbm4b:s11+s26], $0x1400, $0x38;
	[tilespmem:$0x1E400] =	vst v63  }
0x52: {  	_ =	swait.ge [sflag:s14], $0x1400  }
0x53: {  	[sflag:s14] =	ssyncset.done $0x0  }
.Ltmp7:
0x54: {  	[sflag:s14] =	ssyncadd.s32 $0xFFFFEC00;
	(pc) =	sbr.rel .LBB2_8-.Ltmp7, $4  }
0x55: {  	[tilespmem:s16], [sflag:$0x3] =	stream.linear.gather [hbm4b:s12+s26], $0x1400, $0x38;
	[tilespmem:$0x1E400] =	vst v63  }
0x56: {  	_ =	swait.ge [sflag:s14], $0x1400  }
0x57: {  	[sflag:s14] =	ssyncset.done $0x0  }
0x58: {  	s28 =	simm.s32 $0x1;
	[sflag:s14] =	ssyncadd.s32 $0xFFFFEC00  }
.LBB2_9:
0x59: {  	[tilespmem:s20], [sflag:$0x2] =	stream.indirect.gather [hbm4b:s4+s17], $0x80, s24, s17, $0xb8;
	[tilespmem:$0x1E400] =	vst v63  }
.LBB2_11:
0x5a: {  	_ =	swait.ge [sflag:s22], $0x4000  }
0x5b: {  	[sflag:s22] =	ssyncset.done $0x0  }
0x5c: {  	s29 =	sadd.s32 $0x15000, s29;
	[sflag:s22] =	ssyncadd.s32 $0xFFFFC000  }
0x5d: {  	[spmem:s2] =	stream.indirect.scatter.add.f32 [tilespmem:s18], [sflag:$0x3], $0x80, s29, s17, $0xb8;
	[tilespmem:$0x1E400] =	vst v63  }
0x5e: {  	_ =	swait.ge [sflag:s14], $0x4000  }
0x5f: {  	[sflag:s14] =	ssyncset.done $0x0  }
0x60: {  	[sflag:s14] =	ssyncadd.s32 $0xFFFFC000  }
.LBB2_12:
0x61: {  	s26 =	sadd.s32 $0x400, s26  }
0x62: {  	p0 =	sne.s32 s26, $0x5000  }
.Ltmp8:
0x63: {  	_ = 	snop;
	(pc) =	sbr.rel @!p0 .LBB2_13-.Ltmp8, $2  }
0x64: {  	_ =	sdelay $0x2  }
0x65: {  	s28 =	sadd.s32 $0x2, s28  }
.LBB2_8:
0x66: {  	s31 =	sadd.s32 $0xFFFFFFFD, s28  }
0x67: {  	p0 =	slt.u32 s31, $0x28  }
.Ltmp9:
0x68: {  	_ = 	snop;
	(pc) =	sbr.rel @!p0 .LBB2_9-.Ltmp9, $4  }
0x69: {  	_ = 	snop  }
0x6a: {  	s29 =	sshra.s32 s26, $0x2  }
0x6b: {  	s30 =	sadd.s32 $0x13C00, s29  }
0x6c: {  	[tilespmem:s18], [sflag:$0x1] =	stream.indirect.gather [hbm4b:s4+s17], $0x80, s30, s17, $0xb8;
	[tilespmem:$0x1E400] =	vst v63  }
0x6d: {  	_ =	swait.ge [sflag:s19], $0x4000  }
0x6e: {  	[sflag:s19] =	ssyncset.done $0x0  }
0x6f: {  	s30 =	sadd.s32 $0x14F80, s29;
	p0 =	sgt.u32 s28, $0x28;
	[sflag:s19] =	ssyncadd.s32 $0xFFFFC000  }
0x70: {  	[spmem:s2] =	stream.indirect.scatter.add.f32 [tilespmem:s20], [sflag:$0x4], $0x80, s30, s17, $0xb8;
	[tilespmem:$0x1E400] =	vst v63  }
.Ltmp10:
0x71: {  	_ = 	snop;
	(pc) =	sbr.rel @p0 .LBB2_12-.Ltmp10, $4  }
.Ltmp11:
0x72: {  	_ =	swait.ge [sflag:s21], $0x4000;
	(pc) =	sbr.rel @!p0 .LBB2_11-.Ltmp11, $4  }
0x73: {  	[sflag:s21] =	ssyncset.done $0x0  }
0x74: {  	s31 =	sadd.s32 $0x13C80, s29;
	[sflag:s21] =	ssyncadd.s32 $0xFFFFC000  }
0x75: {  	[tilespmem:s20], [sflag:$0x2] =	stream.indirect.gather [hbm4b:s4+s17], $0x80, s31, s17, $0xb8;
	[tilespmem:$0x1E400] =	vst v63  }
0x76: {  	_ = 	snop  }
.LBB2_14:
0x77: {  	_ =	sfence.sel $0x180000  }
0x78: {  	[bflag:$0x0] =	sbarrier.arrive $0xFFFF  }
0x79: {  	p0 =	sne.s32 s1, $0x0;
	_ =	strace $0x90000050  }
0x7a: {  	s0 =	sadd.s32 @!p0 $0x100000, s0;
	[bflag:$0x2] =	sbarrier.arrive $0xFFFF  }
0x7b: {  	[sflag:s0] =	ssyncadd.tile.s32 @!p0 $0x1;
	_ =	shalt  }
.Lfunc_end2:
_tile_overlayer_lowered:
.L_overlay_start_2:
0x7c: {  	(tag) =	ssettag $0x2  }
0x7d: {  	s0 =	rddreg [dreg:$0x0];
	s2 =	stileid.u32  }
0x7e: {  	s1 =	rddreg [dreg:$0x1];
	p0 =	sne.s32 s2, $0x0  }
0x7f: {  	s3 =	rddreg [dreg:$0x2];
	[bflag:$0x3] =	sbarrier.arrive $0xFFFF;
	s2 =	simm.s32 @!p0 $0x1C03  }
0x80: {  	[timem:s3], [sflag:s2] =	dma.local @!p0 [hbm:s0], s1  }
0x81: {  	s0 =	simm.s32 @!p0 $0x3  }
0x82: {  	_ =	swait.ge @!p0 [sflag:s0], s1  }
0x83: {  	s1 =	ssub.s32 @!p0 $0x0, s1;
	[sflag:s0] =	ssyncset.done @!p0 $0x0  }
0x84: {  	[sflag:s0] =	ssyncadd.s32 @!p0 s1  }
0x85: {  	[bflag:$0x3] =	sbarrier.arrive $0xFFFF  }
0x86: {  	_ =	shalt  }

// kernel: kernel.23.cloned.1.call-start
scs
__scs_entry_jumppad:
0x0: {  	(pc) =	sbr.rel $0x88, $3  }
0x1: {  	(tag) =	ssettag $0x0;
	lr =	simm.s32 $0x1  }
0x2: {  	[smem:$0x3F99] =	sst lr;
	_ =	strace $0xD0000000  }
0x3: {  	_ = 	snop  }
0x4: {  	_ = 	snop  }
0x5: {  	_ = 	snop  }
0x6: {  	_ = 	snop  }
0x7: {  	_ = 	snop  }
__scs_overlays_trampoline_lowered:
0x8: {  	[smem:$0x3FA8] =	sst s0  }
0x9: {  	[smem:$0x3FA9] =	sst s1  }
0xa: {  	[smem:$0x3FAA] =	sst s2  }
0xb: {  	[smem:$0x3FAB] =	sst s3  }
0xc: {  	[smem:$0x3FAC] =	sst s4  }
0xd: {  	[smem:$0x3FAD] =	sst s5  }
0xe: {  	[smem:$0x3FAE] =	sst s6  }
0xf: {  	[smem:$0x3FAF] =	sst s7  }
0x10: {  	[smem:$0x3FB0] =	sst s8  }
0x11: {  	[smem:$0x3FB1] =	sst s9;
	s0 =	simm.s32 @!p0 $0x0  }
0x12: {  	s1 =	sld [smem:$0x3F97];
	s0 =	simm.s32 @p0 $0x1  }
0x13: {  	[smem:$0x3FB2] =	sst s0;
	s0 =	simm.s32 @!p1 $0x0  }
0x14: {  	s2 =	sld [smem:$0x3F96];
	s0 =	simm.s32 @p1 $0x1  }
0x15: {  	[smem:$0x3FB3] =	sst s0;
	s0 =	simm.s32 @!p2 $0x0  }
0x16: {  	s3 =	sld [smem:$0x3FDB];
	s0 =	simm.s32 @p2 $0x1  }
0x17: {  	s4 =	simm.s32 $0x1BF5;
	[smem:$0x3FB5] =	sst s0  }
0x18: {  	s0 =	sld [smem:$0x3F98];
	_ =	swait.ge [sflag:s4], $0x0  }
0x19: {  	s7 =	sld [smem:$0x3F99]  }
0x1a: {  	s8 =	sadd.s32 $0xFFFFE003, lr  }
0x1b: {  	s9 =	sadd.s32 $0xFFFFFEF7, lr;
	s5 =	simm.s32 $0xFFFFFFFF;
	p2 =	slt.u32 s8, $0xFFFFF086  }
0x1c: {  	p1 =	slt.u32 s9, $0xF7A;
	s5 =	simm.s32 @!p2 $0x0  }
0x1d: {  	s5 =	simm.s32 @p1 $0x1;
	p0 =	seq.s32 s7, s2  }
0x1e: {  	s7 =	smul.u32 @!p0 $0xF7A, s2;
	p2 =	seq.s32 @!p0 s5, $0x0  }
0x1f: {  	s9 =	smul.u32 $0xF7A, s1;
	s8 =	simm.s32 @!p0 $0x1BF5;
	p2 =	por !p2, p0  }
0x20: {  	[sflag:s8] =	ssyncset.s32 @!p0 $0xFFFFF086;
	s6 =	sadd.s32 @!p0 s3, s7;
	s7 =	simm.s32 @!p0 $0x108  }
0x21: {  	s3 =	sadd.s32 s3, s9;
	s6 =	sadd.s32 @!p0 $0x88, s6;
	s7 =	simm.s32 @p2 $0x1082  }
0x22: {  	[simem:s7], [sflag:s8] =	dma.local @!p0 [hbm:s6], $0xF7A  }
0x23: {  	s9 =	sor.u32 $0xD0000000, s2;
	s6 =	simm.s32 $0x108;
	_ =	swait.ge @!p0 [sflag:s8], $0x0  }
0x24: {  	s3 =	sadd.s32 $0x88, s3;
	s6 =	simm.s32 @!p1 $0x1082;
	[sflag:s4] =	ssyncset.s32 $0xFFFFF086  }
0x25: {  	[simem:s6], [sflag:s4] =	dma.local [hbm:s3], $0xF7A  }
0x26: {  	[smem:$0x3F99] =	sst s1;
	(tag) =	ssettag s2;
	_ =	strace s9  }
0x27: {  	s1 =	sld [smem:$0x3FA9]  }
0x28: {  	s2 =	sld [smem:$0x3FAA]  }
0x29: {  	s4 =	sld [smem:$0x3FAC]  }
0x2a: {  	p0 =	seq.s32 s5, $0x0;
	s5 =	sld [smem:$0x3FAD]  }
0x2b: {  	s6 =	sld [smem:$0x3FAE]  }
0x2c: {  	s7 =	sld [smem:$0x3FAF]  }
0x2d: {  	s3 =	simm.s32 $0x108;
	s8 =	sld [smem:$0x3FB0]  }
0x2e: {  	s3 =	simm.s32 @!p0 $0x1082;
	s9 =	sld [smem:$0x3FB1]  }
0x2f: {  	lr =	sadd.s32 s0, s3;
	s0 =	sld [smem:$0x3FA8]  }
0x30: {  	s3 =	sld [smem:$0x3FAB]  }
0x31: {  	[smem:$0x3FB4] =	sst s10  }
0x32: {  	s10 =	sld [smem:$0x3FB2];
	_ =	sdelay $0x3  }
0x33: {  	p0 =	seq.s32 s10, $0x1;
	s10 =	sld [smem:$0x3FB4];
	_ =	sdelay $0x3  }
0x34: {  	[smem:$0x3FB4] =	sst s10  }
0x35: {  	s10 =	sld [smem:$0x3FB3];
	_ =	sdelay $0x3  }
0x36: {  	p1 =	seq.s32 s10, $0x1;
	s10 =	sld [smem:$0x3FB4];
	_ =	sdelay $0x3  }
0x37: {  	[smem:$0x3FB4] =	sst s10  }
0x38: {  	s10 =	sld [smem:$0x3FB5]  }
0x39: {  	_ = 	snop;
	(pc) =	sbr.ind lr, $3  }
0x3a: {  	_ = 	snop  }
0x3b: {  	_ = 	snop  }
0x3c: {  	p2 =	seq.s32 s10, $0x1;
	s10 =	sld [smem:$0x3FB4]  }
0x3d: {  	_ =	shalt  }
0x3e: {  	_ =	shalt  }
0x3f: {  	_ =	shalt  }
0x40: {  	_ =	shalt  }
0x41: {  	_ =	shalt  }
0x42: {  	_ =	shalt  }
0x43: {  	_ =	shalt  }
0x44: {  	_ =	shalt  }
0x45: {  	_ =	shalt  }
0x46: {  	_ =	shalt  }
0x47: {  	_ =	shalt  }
0x48: {  	_ =	shalt  }
0x49: {  	_ =	shalt  }
0x4a: {  	_ =	shalt  }
0x4b: {  	_ =	shalt  }
0x4c: {  	_ =	shalt  }
0x4d: {  	_ =	shalt  }
0x4e: {  	_ =	shalt  }
0x4f: {  	_ =	shalt  }
0x50: {  	_ =	shalt  }
0x51: {  	_ =	shalt  }
0x52: {  	_ =	shalt  }
0x53: {  	_ =	shalt  }
0x54: {  	_ =	shalt  }
0x55: {  	_ =	shalt  }
0x56: {  	_ =	shalt  }
0x57: {  	_ =	shalt  }
0x58: {  	_ =	shalt  }
0x59: {  	_ =	shalt  }
0x5a: {  	_ =	shalt  }
0x5b: {  	_ =	shalt  }
0x5c: {  	_ =	shalt  }
0x5d: {  	_ =	shalt  }
0x5e: {  	_ =	shalt  }
0x5f: {  	_ =	shalt  }
0x60: {  	_ =	shalt  }
0x61: {  	_ =	shalt  }
0x62: {  	_ =	shalt  }
0x63: {  	_ =	shalt  }
0x64: {  	_ =	shalt  }
0x65: {  	_ =	shalt  }
0x66: {  	_ =	shalt  }
0x67: {  	_ =	shalt  }
0x68: {  	_ =	shalt  }
0x69: {  	_ =	shalt  }
0x6a: {  	_ =	shalt  }
0x6b: {  	_ =	shalt  }
0x6c: {  	_ =	shalt  }
0x6d: {  	_ =	shalt  }
0x6e: {  	_ =	shalt  }
0x6f: {  	_ =	shalt  }
0x70: {  	_ =	shalt  }
0x71: {  	_ =	shalt  }
0x72: {  	_ =	shalt  }
0x73: {  	_ =	shalt  }
0x74: {  	_ =	shalt  }
0x75: {  	_ =	shalt  }
0x76: {  	_ =	shalt  }
0x77: {  	_ =	shalt  }
0x78: {  	_ =	shalt  }
0x79: {  	_ =	shalt  }
0x7a: {  	_ =	shalt  }
0x7b: {  	_ =	shalt  }
0x7c: {  	_ =	shalt  }
0x7d: {  	_ =	shalt  }
0x7e: {  	_ =	shalt  }
0x7f: {  	_ =	shalt  }
0x80: {  	_ =	shalt  }
0x81: {  	_ =	shalt  }
0x82: {  	_ =	shalt  }
0x83: {  	_ =	shalt  }
0x84: {  	_ =	shalt  }
0x85: {  	_ =	shalt  }
0x86: {  	_ =	shalt  }
0x87: {  	_ =	shalt  }
.Lfunc_end0:
.L_simem_size_0:
called_computation.4_lowered:
.L_overlay_start_0:
0x88: {  	s2 =	sld [smem:$0x3FD9]  }
0x89: {  	s3 =	sld [smem:$0x3FFE];
	_ =	sdelay $0x1  }
0x8a: {  	s1 =	srdreg.scid  }
0x8b: {  	s0 =	sand.u32 $0x1, s1  }
0x8c: {  	s17 =	sshll.u32 s0, $0xA;
	s2 =	sadd.s32 s3, s2  }
0x8d: {  	s2 =	sadd.s32 s2, s17  }
0x8e: {  	[smem:$0x3FC0] =	sst s2  }
0x8f: {  	_ = 	snop  }
0x90: {  	s2 =	sld [smem:$0x3FD0];
	(tm) =	ssettm $0x1  }
0x91: {  	s18 =	sld [smem:$0x3FFB];
	_ =	sdelay $0x3  }
0x92: {  	_ =	strace s18  }
0x93: {  	s3 =	sld [smem:$0x3FFC];
	_ =	sdelay $0x3  }
0x94: {  	_ =	strace s3  }
0x95: {  	s3 =	sld [smem:$0x3FFD];
	_ =	sdelay $0x3  }
0x96: {  	_ =	strace s3  }
0x97: {  	_ =	strace $0x8FFFFFFF  }
0x98: {  	s19 =	sld [smem:$0x3FDB];
	_ =	sdelay $0x1  }
0x99: {  	s4 =	simm.s32 $_scs_section_size  }
0x9a: {  	s5 =	simm.s32 $_size__tile_overlayer_lowered;
	s6 =	simm.s32 $_tile_overlayer_lowered  }
0x9b: {  	s22 =	simm.s32 $0x1BFF;
	s21 =	sshll.u32 s6, $0x1;
	s3 =	sadd.s32 s4, s19  }
0x9c: {  	s7 =	simm.s32 $0x0;
	s20 =	sshll.u32 s5, $0x1;
	s5 =	sadd.s32 s21, s3  }
0x9d: {  	[timem:s7], [sflag:s22] =	dma.local [hbm:s5], s20  }
0x9e: {  	_ =	swait.ge [sflag:s22], s20  }
0x9f: {  	s4 =	ssub.s32 $0x0, s20;
	[sflag:s22] =	ssyncset.done $0x0  }
0xa0: {  	[sflag:s22] =	ssyncadd.s32 s4;
	_ =	sdelay $0x1  }
0xa1: {  	s23 =	simm.s32 $0x1B8B  }
0xa2: {  	_ =	swait.ge [sflag:s23], $0x1  }
0xa3: {  	[sflag:s23] =	ssyncset.done $0x0  }
0xa4: {  	s25 =	simm.s32 $0x1B8E;
	s24 =	sld [smem:$0x3FFE];
	[sflag:s23] =	ssyncadd.s32 $0xFFFFFFFF  }
0xa5: {  	s26 =	simm.s32 $execute0_lowered;
	[smem:$0x3FD2] =	sst s25  }
0xa6: {  	s5 =	sshll.u32 s26, $0x1;
	_ =	strace $0x80000052;
	[dreg:$0x1] =	wrdreg $0xFFFFFFFF  }
0xa7: {  	s28 =	simm.s32 $_size_execute0_lowered;
	s3 =	sadd.s32 s3, s5;
	[dreg:$0x0] =	wrdreg $0x0  }
0xa8: {  	s5 =	sshll.u32 s28, $0x1;
	[dreg:$0x2] =	wrdreg s3  }
0xa9: {  	[dreg:$0x3] =	wrdreg s5  }
0xaa: {  	[dreg:$0x4] =	wrdreg $0xC0  }
0xab: {  	_ =	task [dreg:s7], $0x5FFFF  }
0xac: {  	[dreg:$0x1] =	wrdreg $0xFFFFFFFF  }
0xad: {  	[dreg:$0x0] =	wrdreg $0x60  }
0xae: {  	[dreg:$0x2] =	wrdreg s24  }
0xaf: {  	[dreg:$0x3] =	wrdreg s2  }
0xb0: {  	[dreg:$0x4] =	wrdreg $0x0  }
0xb1: {  	[dreg:$0x5] =	wrdreg $0x9  }
0xb2: {  	_ =	task.clear_ibuf [dreg:s7], $0x6FFFF;
	_ =	strace $0x90000052  }
0xb3: {  	s29 =	simm.s32 $0x9;
	_ =	strace $0x80000054  }
0xb4: {  	_ =	swait.ge [sflag:s29], $0x1  }
0xb5: {  	[sflag:s29] =	ssyncadd.s32 $0xFFFFFFFF  }
0xb6: {  	_ =	strace $0x90000054  }
0xb7: {  	_ =	sfence  }
0xb8: {  	s30 =	sld [smem:$0x0];
	_ =	sdelay $0x2  }
0xb9: {  	s31 =	sshll.u32 s1, $0xD;
	s1 =	sshrl.u32 s1, $0x2  }
0xba: {  	s3 =	sand.u32 $0x4000, s31;
	s1 =	sadd.s32 s1, s30  }
0xbb: {  	s0 =	sor.u32 s3, s0;
	s1 =	sshll.u32 s1, $0x11  }
0xbc: {  	s0 =	sor.u32 s1, s0  }
0xbd: {  	s0 =	sadd.s32 $0x8F2B, s0  }
0xbe: {  	[sflag:s0] =	ssyncadd.remote.s32 $0x1  }
0xbf: {  	_ =	sfence.sel $0xFFFF  }
0xc0: {  	[dreg:$0x0] =	wrdreg $0xFFFFFFFF;
	(pc) =	sbr.abs _section_cstart, $3  }
0xc1: {  	[dreg:$0x1] =	wrdreg $0xFFFFFFFF  }
0xc2: {  	_ =	task.clear_ibuf [dreg:s7], $0x2FFFF;
	_ =	strace $0x9FFFFFFF  }
0xc3: {  	(tm) =	ssettm $0x7FFFFFFF  }
tec
execute0_lowered:
.L_overlay_start_1:
0x0: {  	(tag) =	ssettag $0x1  }
0x1: {  	s6 =	rddreg [dreg:$0x0]  }
0x2: {  	s11 =	rddreg [dreg:$0x1];
	s0 =	srdreg.scid  }
0x3: {  	s2 =	rddreg [dreg:$0x2];
	s1 =	stileid.u32;
	s3 =	simm.s32 $0x0  }
0x4: {  	s16 =	simm.s32 $0x15000;
	s17 =	simm.s32 $0x80;
	s18 =	simm.s32 $0x16400  }
0x5: {  	s19 =	simm.s32 $0x2;
	s20 =	simm.s32 $0x1A400;
	s21 =	simm.s32 $0x4  }
0x6: {  	s22 =	simm.s32 $0x1;
	s23 =	simm.s32 $0x16380;
	s24 =	simm.s32 $0x13C80  }
0x7: {  	s25 =	simm.s32 $0x0;
	s7 =	sand.u32 $0x1, s0;
	s0 =	rddreg [dreg:$0x3]  }
0x8: {  	s8 =	smul.u32 $0x13C00, s1;
	[smem:$0x7FF] =	sst s3;
	s4 =	sadd.s32 $0x1AA00, s6  }
0x9: {  	s12 =	sadd.s32 $0xDA00, s6;
	s10 =	smul.u32 $0x4F000, s1;
	s13 =	sshll.u32 s1, $0x6  }
0xa: {  	s5 =	smul.u32 $0x13C000, s7;
	s9 =	ssub.s32 $0x2, s7;
	s7 =	sshll.u32 s7, $0x4  }
0xb: {  	_ =	strace $0x80000053;
	s30 =	sshrl.u32 s9, $0x1;
	s7 =	sor.u32 s1, s7  }
0xc: {  	s10 =	sshrl.u32 s10, $0x2;
	s8 =	sadd.s32 s8, s5;
	s5 =	sadd.s32 $0x18200, s6  }
0xd: {  	s14 =	smul.u32 $0x2800, s7;
	s9 =	ssub.s32 s9, s30;
	s8 =	sshrl.u32 s8, $0x3  }
.Ltmp0:
0xe: {  	s15 =	sadd.s32 s10, s2;
	s8 =	sadd.s32 s8, s6;
	(pc) =	sbr.rel .LBB2_1-.Ltmp0, $4  }
0xf: {  	s6 =	sor.u32 $0x1C03, s13;
	s31 =	sshrl.u32 s14, $0x3;
	s14 =	simm.s32 $0x3  }
0x10: {  	s7 =	sadd.s32 $0x42200, s8;
	s8 =	smax.u32 s9, $0x1;
	s13 =	sadd.s32 $0x280, s31  }
0x11: {  	s9 =	sadd.s32 s11, s31;
	s10 =	sadd.s32 s12, s31;
	s11 =	sadd.s32 s11, s13  }
0x12: {  	s12 =	sadd.s32 s12, s13;
	s13 =	sshrl.u32 s15, $0x3;
	s15 =	simm.s32 $0x13C00  }
.LBB2_13:
0x13: {  	_ =	swait.ge [sflag:s19], $0x4000  }
0x14: {  	[sflag:s19] =	ssyncset.done $0x0  }
0x15: {  	[sflag:s19] =	ssyncadd.s32 $0xFFFFC000  }
0x16: {  	[spmem:s2] =	stream.indirect.scatter.add.f32 [tilespmem:s20], [sflag:$0x4], $0x80, s23, s17, $0xb8;
	[tilespmem:$0x1E400] =	vst v63  }
0x17: {  	_ =	swait.ge [sflag:s21], $0x4000  }
0x18: {  	s25 =	sadd.s32 $0x1, s25;
	[sflag:s21] =	ssyncset.done $0x0  }
0x19: {  	p0 =	sne.s32 s25, s8;
	[sflag:s21] =	ssyncadd.s32 $0xFFFFC000  }
.Ltmp1:
0x1a: {  	[bflag:$0x0] =	sbarrier.arrive $0xFFFF;
	(pc) =	sbr.rel @!p0 .LBB2_14-.Ltmp1, $4  }
0x1b: {  	[hbm:s7], [sflag:s6] =	dma.local [spmem:s13], $0x2780  }
0x1c: {  	_ =	swait.ge [sflag:s14], $0x2780  }
0x1d: {  	[sflag:s14] =	ssyncset.done $0x0  }
0x1e: {  	[sflag:s14] =	ssyncadd.s32 $0xFFFFD880  }
.LBB2_1:
0x1f: {  	[spmem:s13], [sflag:s6] =	dma.local [hbm:s5], $0x2780  }
0x20: {  	_ =	swait.ge [sflag:s14], $0x2780  }
0x21: {  	[sflag:s14] =	ssyncset.done $0x0  }
0x22: {  	[sflag:s14] =	ssyncadd.s32 $0xFFFFD880  }
0x23: {  	[bflag:$0x0] =	sbarrier.arrive $0xFFFF  }
0x24: {  	[tilespmem:s15], [sflag:$0x3] =	stream.linear.gather [hbm4b:s9+s3], $0x1400, $0x38;
	[tilespmem:$0x1E400] =	vst v63  }
0x25: {  	_ =	swait.ge [sflag:s14], $0x1400  }
0x26: {  	[sflag:s14] =	ssyncset.done $0x0  }
.Ltmp2:
0x27: {  	[sflag:s14] =	ssyncadd.s32 $0xFFFFEC00;
	(pc) =	sbr.rel .LBB2_2-.Ltmp2, $4  }
0x28: {  	[tilespmem:s16], [sflag:$0x3] =	stream.linear.gather [hbm4b:s10+s3], $0x1400, $0x38;
	[tilespmem:$0x1E400] =	vst v63  }
0x29: {  	_ =	swait.ge [sflag:s14], $0x1400  }
0x2a: {  	[sflag:s14] =	ssyncset.done $0x0  }
0x2b: {  	s26 =	simm.s32 $0x1;
	s28 =	simm.s32 $0x0;
	[sflag:s14] =	ssyncadd.s32 $0xFFFFEC00  }
.LBB2_3:
0x2c: {  	[tilespmem:s20], [sflag:$0x2] =	stream.indirect.gather [hbm4b:s4+s17], $0x80, s24, s17, $0xb8;
	[tilespmem:$0x1E400] =	vst v63  }
.LBB2_5:
0x2d: {  	_ =	swait.ge [sflag:s22], $0x4000  }
0x2e: {  	[sflag:s22] =	ssyncset.done $0x0  }
0x2f: {  	s29 =	sadd.s32 $0x15000, s29;
	[sflag:s22] =	ssyncadd.s32 $0xFFFFC000  }
0x30: {  	[spmem:s2] =	stream.indirect.scatter.add.f32 [tilespmem:s18], [sflag:$0x3], $0x80, s29, s17, $0xb8;
	[tilespmem:$0x1E400] =	vst v63  }
0x31: {  	_ =	swait.ge [sflag:s14], $0x4000  }
0x32: {  	[sflag:s14] =	ssyncset.done $0x0  }
0x33: {  	[sflag:s14] =	ssyncadd.s32 $0xFFFFC000  }
.LBB2_6:
0x34: {  	s28 =	sadd.s32 $0x400, s28  }
0x35: {  	p0 =	sne.s32 s28, $0x5000  }
.Ltmp3:
0x36: {  	_ = 	snop;
	(pc) =	sbr.rel @!p0 .LBB2_7-.Ltmp3, $2  }
0x37: {  	_ =	sdelay $0x2  }
0x38: {  	s26 =	sadd.s32 $0x2, s26  }
.LBB2_2:
0x39: {  	s31 =	sadd.s32 $0xFFFFFFFD, s26  }
0x3a: {  	p0 =	slt.u32 s31, $0x28  }
.Ltmp4:
0x3b: {  	_ = 	snop;
	(pc) =	sbr.rel @!p0 .LBB2_3-.Ltmp4, $4  }
0x3c: {  	_ = 	snop  }
0x3d: {  	s29 =	sshra.s32 s28, $0x2  }
0x3e: {  	s30 =	sadd.s32 $0x13C00, s29  }
0x3f: {  	[tilespmem:s18], [sflag:$0x1] =	stream.indirect.gather [hbm4b:s4+s17], $0x80, s30, s17, $0xb8;
	[tilespmem:$0x1E400] =	vst v63  }
0x40: {  	_ =	swait.ge [sflag:s19], $0x4000  }
0x41: {  	[sflag:s19] =	ssyncset.done $0x0  }
0x42: {  	s30 =	sadd.s32 $0x14F80, s29;
	p0 =	sgt.u32 s26, $0x28;
	[sflag:s19] =	ssyncadd.s32 $0xFFFFC000  }
0x43: {  	[spmem:s2] =	stream.indirect.scatter.add.f32 [tilespmem:s20], [sflag:$0x4], $0x80, s30, s17, $0xb8;
	[tilespmem:$0x1E400] =	vst v63  }
.Ltmp5:
0x44: {  	_ = 	snop;
	(pc) =	sbr.rel @p0 .LBB2_6-.Ltmp5, $4  }
.Ltmp6:
0x45: {  	_ =	swait.ge [sflag:s21], $0x4000;
	(pc) =	sbr.rel @!p0 .LBB2_5-.Ltmp6, $4  }
0x46: {  	[sflag:s21] =	ssyncset.done $0x0  }
0x47: {  	s31 =	sadd.s32 $0x13C80, s29;
	[sflag:s21] =	ssyncadd.s32 $0xFFFFC000  }
0x48: {  	[tilespmem:s20], [sflag:$0x2] =	stream.indirect.gather [hbm4b:s4+s17], $0x80, s31, s17, $0xb8;
	[tilespmem:$0x1E400] =	vst v63  }
0x49: {  	_ = 	snop  }
.LBB2_7:
0x4a: {  	_ =	swait.ge [sflag:s19], $0x4000  }
0x4b: {  	[sflag:s19] =	ssyncset.done $0x0  }
0x4c: {  	[sflag:s19] =	ssyncadd.s32 $0xFFFFC000  }
0x4d: {  	[spmem:s2] =	stream.indirect.scatter.add.f32 [tilespmem:s20], [sflag:$0x4], $0x80, s23, s17, $0xb8;
	[tilespmem:$0x1E400] =	vst v63  }
0x4e: {  	_ =	swait.ge [sflag:s21], $0x4000  }
0x4f: {  	[sflag:s21] =	ssyncset.done $0x0  }
0x50: {  	s26 =	simm.s32 $0x0;
	[sflag:s21] =	ssyncadd.s32 $0xFFFFC000  }
0x51: {  	[tilespmem:s15], [sflag:$0x3] =	stream.linear.gather [hbm4b:s11+s26], $0x1400, $0x38;
	[tilespmem:$0x1E400] =	vst v63  }
0x52: {  	_ =	swait.ge [sflag:s14], $0x1400  }
0x53: {  	[sflag:s14] =	ssyncset.done $0x0  }
.Ltmp7:
0x54: {  	[sflag:s14] =	ssyncadd.s32 $0xFFFFEC00;
	(pc) =	sbr.rel .LBB2_8-.Ltmp7, $4  }
0x55: {  	[tilespmem:s16], [sflag:$0x3] =	stream.linear.gather [hbm4b:s12+s26], $0x1400, $0x38;
	[tilespmem:$0x1E400] =	vst v63  }
0x56: {  	_ =	swait.ge [sflag:s14], $0x1400  }
0x57: {  	[sflag:s14] =	ssyncset.done $0x0  }
0x58: {  	s28 =	simm.s32 $0x1;
	[sflag:s14] =	ssyncadd.s32 $0xFFFFEC00  }
.LBB2_9:
0x59: {  	[tilespmem:s20], [sflag:$0x2] =	stream.indirect.gather [hbm4b:s4+s17], $0x80, s24, s17, $0xb8;
	[tilespmem:$0x1E400] =	vst v63  }
.LBB2_11:
0x5a: {  	_ =	swait.ge [sflag:s22], $0x4000  }
0x5b: {  	[sflag:s22] =	ssyncset.done $0x0  }
0x5c: {  	s29 =	sadd.s32 $0x15000, s29;
	[sflag:s22] =	ssyncadd.s32 $0xFFFFC000  }
0x5d: {  	[spmem:s2] =	stream.indirect.scatter.add.f32 [tilespmem:s18], [sflag:$0x3], $0x80, s29, s17, $0xb8;
	[tilespmem:$0x1E400] =	vst v63  }
0x5e: {  	_ =	swait.ge [sflag:s14], $0x4000  }
0x5f: {  	[sflag:s14] =	ssyncset.done $0x0  }
0x60: {  	[sflag:s14] =	ssyncadd.s32 $0xFFFFC000  }
.LBB2_12:
0x61: {  	s26 =	sadd.s32 $0x400, s26  }
0x62: {  	p0 =	sne.s32 s26, $0x5000  }
.Ltmp8:
0x63: {  	_ = 	snop;
	(pc) =	sbr.rel @!p0 .LBB2_13-.Ltmp8, $2  }
0x64: {  	_ =	sdelay $0x2  }
0x65: {  	s28 =	sadd.s32 $0x2, s28  }
.LBB2_8:
0x66: {  	s31 =	sadd.s32 $0xFFFFFFFD, s28  }
0x67: {  	p0 =	slt.u32 s31, $0x28  }
.Ltmp9:
0x68: {  	_ = 	snop;
	(pc) =	sbr.rel @!p0 .LBB2_9-.Ltmp9, $4  }
0x69: {  	_ = 	snop  }
0x6a: {  	s29 =	sshra.s32 s26, $0x2  }
0x6b: {  	s30 =	sadd.s32 $0x13C00, s29  }
0x6c: {  	[tilespmem:s18], [sflag:$0x1] =	stream.indirect.gather [hbm4b:s4+s17], $0x80, s30, s17, $0xb8;
	[tilespmem:$0x1E400] =	vst v63  }
0x6d: {  	_ =	swait.ge [sflag:s19], $0x4000  }
0x6e: {  	[sflag:s19] =	ssyncset.done $0x0  }
0x6f: {  	s30 =	sadd.s32 $0x14F80, s29;
	p0 =	sgt.u32 s28, $0x28;
	[sflag:s19] =	ssyncadd.s32 $0xFFFFC000  }
0x70: {  	[spmem:s2] =	stream.indirect.scatter.add.f32 [tilespmem:s20], [sflag:$0x4], $0x80, s30, s17, $0xb8;
	[tilespmem:$0x1E400] =	vst v63  }
.Ltmp10:
0x71: {  	_ = 	snop;
	(pc) =	sbr.rel @p0 .LBB2_12-.Ltmp10, $4  }
.Ltmp11:
0x72: {  	_ =	swait.ge [sflag:s21], $0x4000;
	(pc) =	sbr.rel @!p0 .LBB2_11-.Ltmp11, $4  }
0x73: {  	[sflag:s21] =	ssyncset.done $0x0  }
0x74: {  	s31 =	sadd.s32 $0x13C80, s29;
	[sflag:s21] =	ssyncadd.s32 $0xFFFFC000  }
0x75: {  	[tilespmem:s20], [sflag:$0x2] =	stream.indirect.gather [hbm4b:s4+s17], $0x80, s31, s17, $0xb8;
	[tilespmem:$0x1E400] =	vst v63  }
0x76: {  	_ = 	snop  }
.LBB2_14:
0x77: {  	_ =	sfence.sel $0x180000  }
0x78: {  	[bflag:$0x0] =	sbarrier.arrive $0xFFFF  }
0x79: {  	p0 =	sne.s32 s1, $0x0;
	_ =	strace $0x90000053  }
0x7a: {  	s0 =	sadd.s32 @!p0 $0x100000, s0;
	[bflag:$0x2] =	sbarrier.arrive $0xFFFF  }
0x7b: {  	[sflag:s0] =	ssyncadd.tile.s32 @!p0 $0x1;
	_ =	shalt  }
.Lfunc_end2:
_tile_overlayer_lowered:
.L_overlay_start_2:
0x7c: {  	(tag) =	ssettag $0x2  }
0x7d: {  	s0 =	rddreg [dreg:$0x0];
	s2 =	stileid.u32  }
0x7e: {  	s1 =	rddreg [dreg:$0x1];
	p0 =	sne.s32 s2, $0x0  }
0x7f: {  	s3 =	rddreg [dreg:$0x2];
	[bflag:$0x3] =	sbarrier.arrive $0xFFFF;
	s2 =	simm.s32 @!p0 $0x1C03  }
0x80: {  	[timem:s3], [sflag:s2] =	dma.local @!p0 [hbm:s0], s1  }
0x81: {  	s0 =	simm.s32 @!p0 $0x3  }
0x82: {  	_ =	swait.ge @!p0 [sflag:s0], s1  }
0x83: {  	s1 =	ssub.s32 @!p0 $0x0, s1;
	[sflag:s0] =	ssyncset.done @!p0 $0x0  }
0x84: {  	[sflag:s0] =	ssyncadd.s32 @!p0 s1  }
0x85: {  	[bflag:$0x3] =	sbarrier.arrive $0xFFFF  }
0x86: {  	_ =	shalt  }

</sc_bundles>
